<compile_context>
chip_gen: v7x
topology: tpu7x:2x2x1
jax: 0.10.2.dev20260603
libtpu: 0.0.44.dev20260713+nightly
codegen_flags: <defaults>
</compile_context>

<pallas_src>
import functools

import jax
import jax.numpy as jnp
from jax import lax
from jax.experimental import pallas as pl
from jax.experimental.pallas import tpu as pltpu
from jax.experimental.pallas import tpu_sc as plsc

DIM = 128
BATCH = 16384

_INFO = plsc.get_sparse_core_info()
_NC, _NS, _L = _INFO.num_cores, _INFO.num_subcores, _INFO.num_lanes
_NW = _NC * _NS
_BPW = BATCH // _NW
_C = 128
_NCHUNK = _BPW // _C
_GROUPS = _C // _L
_NBUF = 2
_SUPER = _NCHUNK // _NBUF


def _sc_body(z_hbm, hidx_hbm, ridx_hbm, tidx_hbm, rel_hbm, out_hbm,
             idx_all, row_bufs, sems, stage_v, out_v):
    wid = lax.axis_index("s") * _NC + lax.axis_index("c")
    base = wid * _BPW

    lane = lax.broadcasted_iota(jnp.int32, (_L,), 0)
    lane16 = lane * _L

    hidx_v, ridx_v, tidx_v = idx_all
    ih = pltpu.async_copy(hidx_hbm.at[pl.ds(base, _BPW)], hidx_v, sems[0])
    ir = pltpu.async_copy(ridx_hbm.at[pl.ds(base, _BPW)], ridx_v, sems[0])
    it = pltpu.async_copy(tidx_hbm.at[pl.ds(base, _BPW)], tidx_v, sems[0])
    ih.wait()
    ir.wait()
    it.wait()

    def issue(chunk, p):
        hrows_v, wrows_v, trows_v = row_bufs[p]
        off = chunk * _C
        pltpu.async_copy(z_hbm.at[hidx_v.at[pl.ds(off, _C)]], hrows_v, sems[p])
        pltpu.async_copy(rel_hbm.at[ridx_v.at[pl.ds(off, _C)]], wrows_v, sems[p])
        pltpu.async_copy(z_hbm.at[tidx_v.at[pl.ds(off, _C)]], trows_v, sems[p])

    for p in range(_NBUF):
        issue(p, p)

    def super_body(sc, carry):
        for j in range(_NBUF):
            chunk = sc * _NBUF + j
            hrows_v, wrows_v, trows_v = row_bufs[j]
            pltpu.make_async_copy(z_hbm.at[hidx_v.at[pl.ds(0, _C)]],
                                  hrows_v, sems[j]).wait()
            pltpu.make_async_copy(rel_hbm.at[ridx_v.at[pl.ds(0, _C)]],
                                  wrows_v, sems[j]).wait()
            pltpu.make_async_copy(z_hbm.at[tidx_v.at[pl.ds(0, _C)]],
                                  trows_v, sems[j]).wait()

            def group_body(g, gcarry):
                @plsc.parallel_loop(0, _L, 1, unroll=4)
                def tri_body(i):
                    row = g * _L + i
                    acc = jnp.zeros((_L,), jnp.float32)
                    for s in range(DIM // _L):
                        hv = hrows_v[row, pl.ds(s * _L, _L)]
                        wv = wrows_v[row, pl.ds(s * _L, _L)]
                        tv = trows_v[row, pl.ds(s * _L, _L)]
                        acc = acc + hv * wv * tv
                    stage_v[pl.ds(i * _L, _L)] = acc
                tot = jnp.zeros((_L,), jnp.float32)
                for jj in range(_L):
                    tot = tot + plsc.load_gather(stage_v, [lane16 + jj])
                out_v[pl.ds(chunk * _C + g * _L, _L)] = tot
                return gcarry

            lax.fori_loop(0, _GROUPS, group_body, 0)

            @pl.when(sc + 1 < _SUPER)
            def _():
                issue(chunk + _NBUF, j)

        return carry

    lax.fori_loop(0, _SUPER, super_body, 0)

    pltpu.sync_copy(out_v, out_hbm.at[pl.ds(base, _BPW)])


def _flat_body(z_hbm, hidx_hbm, ridx_hbm, tidx_hbm, rel_hbm, out_hbm,
               ih, ir, it,
               r0h, r0w, r0t, r1h, r1w, r1t,
               sem0, sem1, stage_v, out_v):
    row_bufs = [(r0h, r0w, r0t), (r1h, r1w, r1t)]
    _sc_body(z_hbm, hidx_hbm, ridx_hbm, tidx_hbm, rel_hbm, out_hbm,
             (ih, ir, it), row_bufs, [sem0, sem1],
             stage_v, out_v)


@jax.jit
def _dist_mult_sc(z, h, r, t, rel_weight):
    mesh = plsc.VectorSubcoreMesh(core_axis_name="c", subcore_axis_name="s")
    f = functools.partial(
        pl.kernel,
        mesh=mesh,
        out_type=jax.ShapeDtypeStruct((BATCH,), jnp.float32),
        scratch_types=(
            [pltpu.VMEM((_BPW,), jnp.int32)] * 3
            + [pltpu.VMEM((_C, DIM), jnp.float32)] * 6
            + [pltpu.SemaphoreType.DMA] * 2
            + [pltpu.VMEM((_L * _L,), jnp.float32),
               pltpu.VMEM((_BPW,), jnp.float32)]
        ),
        compiler_params=pltpu.CompilerParams(needs_layout_passes=False),
    )(_flat_body)
    return f(z, h, r, t, rel_weight)


def kernel(z, triples, rel_weight):
    tri = triples.astype(jnp.int32)
    return _dist_mult_sc(z, tri[:, 0], tri[:, 1], tri[:, 2], rel_weight)

# --- scband reference (transcript-rebuilt; emitter-appended) ---
"""Pipeline reference for scband-dist-mult-decoder-81209241633068 (READ-ONLY COPY).

The authoritative reference and input builder live on the scoring server;
editing this copy changes nothing except your own understanding.
"""

import jax, jax.numpy as jnp
import numpy as np

NUM_NODES = 100000
NUM_RELATIONS = 100000
DIM = 128
BATCH = 16384


def setup_inputs(seed: int = 0) -> dict:
    key = jax.random.key(seed)
    k1, k2, k3 = jax.random.split(key, 3)
    z = jax.random.normal(k1, (NUM_NODES, DIM), dtype=jnp.float32)
    triples = jax.random.randint(k2, (BATCH, 3), 0, NUM_NODES, dtype=jnp.int64)
    # xavier_uniform init for relation embedding table [NUM_RELATIONS, DIM]
    bound = float(np.sqrt(6.0 / (NUM_RELATIONS + DIM)))
    rel_weight = jax.random.uniform(k3, (NUM_RELATIONS, DIM), dtype=jnp.float32, minval=-bound, maxval=bound)
    return {"z": z, "triples": triples, "rel_weight": rel_weight}


def reference(z, triples, rel_weight):
    # score(h, r, t) = sum_d e_h[d] * w_r[d] * e_t[d]
    h = triples[:, 0]
    r = triples[:, 1]
    t = triples[:, 2]
    e_h = jnp.take(z, h, axis=0)
    e_t = jnp.take(z, t, axis=0)
    w_r = jnp.take(rel_weight, r, axis=0)
    return (e_h * w_r * e_t).sum(axis=1)

if __name__ == "__main__":
    import jax
    _d = setup_inputs()
    print(jax.jit(kernel)(*tuple(_d.values())))

</pallas_src>

<mosaic_0001>
#map = affine_map<(d0, d1) -> (0, 0)>
#map1 = affine_map<(d0, d1) -> (0)>
module attributes {stable_mosaic.version = 14 : i64} {
  func.func @_flat_body(%arg0: i32, %arg1: i32, %arg2: memref<100000x128xf32, #tpu.memory_space<hbm>>, %arg3: memref<16384xi32, #tpu.memory_space<hbm>>, %arg4: memref<16384xi32, #tpu.memory_space<hbm>>, %arg5: memref<16384xi32, #tpu.memory_space<hbm>>, %arg6: memref<100000x128xf32, #tpu.memory_space<hbm>>, %arg7: memref<16384xf32, #tpu.memory_space<hbm>>, %arg8: memref<512xi32, #tpu.memory_space<vmem>>, %arg9: memref<512xi32, #tpu.memory_space<vmem>>, %arg10: memref<512xi32, #tpu.memory_space<vmem>>, %arg11: memref<128x128xf32, #tpu.memory_space<vmem>>, %arg12: memref<128x128xf32, #tpu.memory_space<vmem>>, %arg13: memref<128x128xf32, #tpu.memory_space<vmem>>, %arg14: memref<128x128xf32, #tpu.memory_space<vmem>>, %arg15: memref<128x128xf32, #tpu.memory_space<vmem>>, %arg16: memref<128x128xf32, #tpu.memory_space<vmem>>, %arg17: memref<!tpu.dma_semaphore, #tpu.memory_space<semaphore_mem>>, %arg18: memref<!tpu.dma_semaphore, #tpu.memory_space<semaphore_mem>>, %arg19: memref<256xf32, #tpu.memory_space<vmem>>, %arg20: memref<512xf32, #tpu.memory_space<vmem>>) attributes {dimension_semantics = [#tpu.dimension_semantics<core_parallel>, #tpu.dimension_semantics<subcore_parallel>], iteration_bounds = array<i64: 2, 16>, scalar_prefetch = 0 : i64, scratch_operands = 13 : i64, tpu.core_type = #tpu.core_type<sc_vector_subcore>, window_params = [{transform_indices = #map}, {transform_indices = #map1}, {transform_indices = #map1}, {transform_indices = #map1}, {transform_indices = #map}, {transform_indices = #map1}]} {
    %mul3A = arith.constant 2 : i32
    %mul3A_0 = arith.muli %arg1, %mul3A : i32
    %add3A = arith.addi %mul3A_0, %arg0 : i32
    %mul3A_1 = arith.constant 512 : i32
    %mul3A_2 = arith.muli %add3A, %mul3A_1 : i32
    %iota3A = tpu.iota {dimensions = array<i32: 0>} : vector<16xi32>
    %mul3A_3 = arith.constant 16 : i32
    %mul3A_4 = vector.broadcast %mul3A_3 : i32 to vector<16xi32>
    %mul3A_5 = arith.muli %iota3A, %mul3A_4 : vector<16xi32>
    %dma_start3A = tpu.memref_slice %arg3[%mul3A_2] : memref<16384xi32, #tpu.memory_space<hbm>> -> memref<512xi32, #tpu.memory_space<hbm>>
    %dma_start3A_6 = tpu.memref_slice %arg3[%mul3A_2] : memref<16384xi32, #tpu.memory_space<hbm>> -> memref<512xi32, #tpu.memory_space<hbm>>
    tpu.enqueue_dma source(%dma_start3A_6 : memref<512xi32, #tpu.memory_space<hbm>>) target(%arg8 : memref<512xi32, #tpu.memory_space<vmem>>) target_semaphore(%arg17 : memref<!tpu.dma_semaphore, #tpu.memory_space<semaphore_mem>>)
    %dma_start3A_7 = tpu.memref_slice %arg4[%mul3A_2] : memref<16384xi32, #tpu.memory_space<hbm>> -> memref<512xi32, #tpu.memory_space<hbm>>
    %dma_start3A_8 = tpu.memref_slice %arg4[%mul3A_2] : memref<16384xi32, #tpu.memory_space<hbm>> -> memref<512xi32, #tpu.memory_space<hbm>>
    tpu.enqueue_dma source(%dma_start3A_8 : memref<512xi32, #tpu.memory_space<hbm>>) target(%arg9 : memref<512xi32, #tpu.memory_space<vmem>>) target_semaphore(%arg17 : memref<!tpu.dma_semaphore, #tpu.memory_space<semaphore_mem>>)
    %dma_start3A_9 = tpu.memref_slice %arg5[%mul3A_2] : memref<16384xi32, #tpu.memory_space<hbm>> -> memref<512xi32, #tpu.memory_space<hbm>>
    %dma_start3A_10 = tpu.memref_slice %arg5[%mul3A_2] : memref<16384xi32, #tpu.memory_space<hbm>> -> memref<512xi32, #tpu.memory_space<hbm>>
    tpu.enqueue_dma source(%dma_start3A_10 : memref<512xi32, #tpu.memory_space<hbm>>) target(%arg10 : memref<512xi32, #tpu.memory_space<vmem>>) target_semaphore(%arg17 : memref<!tpu.dma_semaphore, #tpu.memory_space<semaphore_mem>>)
    %dma_wait3A = tpu.memref_slice %arg3[%mul3A_2] : memref<16384xi32, #tpu.memory_space<hbm>> -> memref<512xi32, #tpu.memory_space<hbm>>
    %dma_wait3A_11 = tpu.memref_slice %arg3[%mul3A_2] : memref<16384xi32, #tpu.memory_space<hbm>> -> memref<512xi32, #tpu.memory_space<hbm>>
    tpu.wait_dma2 semaphore(%arg17 : memref<!tpu.dma_semaphore, #tpu.memory_space<semaphore_mem>>) src(%dma_wait3A_11 : memref<512xi32, #tpu.memory_space<hbm>>) dst(%arg8 : memref<512xi32, #tpu.memory_space<vmem>>)
    %dma_wait3A_12 = tpu.memref_slice %arg4[%mul3A_2] : memref<16384xi32, #tpu.memory_space<hbm>> -> memref<512xi32, #tpu.memory_space<hbm>>
    %dma_wait3A_13 = tpu.memref_slice %arg4[%mul3A_2] : memref<16384xi32, #tpu.memory_space<hbm>> -> memref<512xi32, #tpu.memory_space<hbm>>
    tpu.wait_dma2 semaphore(%arg17 : memref<!tpu.dma_semaphore, #tpu.memory_space<semaphore_mem>>) src(%dma_wait3A_13 : memref<512xi32, #tpu.memory_space<hbm>>) dst(%arg9 : memref<512xi32, #tpu.memory_space<vmem>>)
    %dma_wait3A_14 = tpu.memref_slice %arg5[%mul3A_2] : memref<16384xi32, #tpu.memory_space<hbm>> -> memref<512xi32, #tpu.memory_space<hbm>>
    %dma_wait3A_15 = tpu.memref_slice %arg5[%mul3A_2] : memref<16384xi32, #tpu.memory_space<hbm>> -> memref<512xi32, #tpu.memory_space<hbm>>
    tpu.wait_dma2 semaphore(%arg17 : memref<!tpu.dma_semaphore, #tpu.memory_space<semaphore_mem>>) src(%dma_wait3A_15 : memref<512xi32, #tpu.memory_space<hbm>>) dst(%arg10 : memref<512xi32, #tpu.memory_space<vmem>>)
    %dma_start3A_16 = arith.constant 0 : i32
    %dma_start3A_17 = tpu.memref_slice %arg8[%dma_start3A_16] : memref<512xi32, #tpu.memory_space<vmem>> -> memref<128xi32, #tpu.memory_space<vmem>>
    %dma_start3A_18 = arith.constant 0 : i32
    %dma_start3A_19 = arith.constant 0 : i32
    %dma_start3A_20 = tpu.memref_slice %arg2[%dma_start3A_18, %dma_start3A_19] : memref<100000x128xf32, #tpu.memory_space<hbm>> -> memref<100000x128xf32, #tpu.memory_space<hbm>>
    tpu.enqueue_indirect_dma source(%dma_start3A_20 : memref<100000x128xf32, #tpu.memory_space<hbm>>) target(%arg11 : memref<128x128xf32, #tpu.memory_space<vmem>>) offsets(%dma_start3A_17 : memref<128xi32, #tpu.memory_space<vmem>>) semaphore(%arg17 : memref<!tpu.dma_semaphore, #tpu.memory_space<semaphore_mem>>)
    %dma_start3A_21 = arith.constant 0 : i32
    %dma_start3A_22 = tpu.memref_slice %arg9[%dma_start3A_21] : memref<512xi32, #tpu.memory_space<vmem>> -> memref<128xi32, #tpu.memory_space<vmem>>
    %dma_start3A_23 = arith.constant 0 : i32
    %dma_start3A_24 = arith.constant 0 : i32
    %dma_start3A_25 = tpu.memref_slice %arg6[%dma_start3A_23, %dma_start3A_24] : memref<100000x128xf32, #tpu.memory_space<hbm>> -> memref<100000x128xf32, #tpu.memory_space<hbm>>
    tpu.enqueue_indirect_dma source(%dma_start3A_25 : memref<100000x128xf32, #tpu.memory_space<hbm>>) target(%arg12 : memref<128x128xf32, #tpu.memory_space<vmem>>) offsets(%dma_start3A_22 : memref<128xi32, #tpu.memory_space<vmem>>) semaphore(%arg17 : memref<!tpu.dma_semaphore, #tpu.memory_space<semaphore_mem>>)
    %dma_start3A_26 = arith.constant 0 : i32
    %dma_start3A_27 = tpu.memref_slice %arg10[%dma_start3A_26] : memref<512xi32, #tpu.memory_space<vmem>> -> memref<128xi32, #tpu.memory_space<vmem>>
    %dma_start3A_28 = arith.constant 0 : i32
    %dma_start3A_29 = arith.constant 0 : i32
    %dma_start3A_30 = tpu.memref_slice %arg2[%dma_start3A_28, %dma_start3A_29] : memref<100000x128xf32, #tpu.memory_space<hbm>> -> memref<100000x128xf32, #tpu.memory_space<hbm>>
    tpu.enqueue_indirect_dma source(%dma_start3A_30 : memref<100000x128xf32, #tpu.memory_space<hbm>>) target(%arg13 : memref<128x128xf32, #tpu.memory_space<vmem>>) offsets(%dma_start3A_27 : memref<128xi32, #tpu.memory_space<vmem>>) semaphore(%arg17 : memref<!tpu.dma_semaphore, #tpu.memory_space<semaphore_mem>>)
    %dma_start3A_31 = arith.constant 128 : i32
    %dma_start3A_32 = tpu.memref_slice %arg8[%dma_start3A_31] : memref<512xi32, #tpu.memory_space<vmem>> -> memref<128xi32, #tpu.memory_space<vmem>>
    %dma_start3A_33 = arith.constant 0 : i32
    %dma_start3A_34 = arith.constant 0 : i32
    %dma_start3A_35 = tpu.memref_slice %arg2[%dma_start3A_33, %dma_start3A_34] : memref<100000x128xf32, #tpu.memory_space<hbm>> -> memref<100000x128xf32, #tpu.memory_space<hbm>>
    tpu.enqueue_indirect_dma source(%dma_start3A_35 : memref<100000x128xf32, #tpu.memory_space<hbm>>) target(%arg14 : memref<128x128xf32, #tpu.memory_space<vmem>>) offsets(%dma_start3A_32 : memref<128xi32, #tpu.memory_space<vmem>>) semaphore(%arg18 : memref<!tpu.dma_semaphore, #tpu.memory_space<semaphore_mem>>)
    %dma_start3A_36 = arith.constant 128 : i32
    %dma_start3A_37 = tpu.memref_slice %arg9[%dma_start3A_36] : memref<512xi32, #tpu.memory_space<vmem>> -> memref<128xi32, #tpu.memory_space<vmem>>
    %dma_start3A_38 = arith.constant 0 : i32
    %dma_start3A_39 = arith.constant 0 : i32
    %dma_start3A_40 = tpu.memref_slice %arg6[%dma_start3A_38, %dma_start3A_39] : memref<100000x128xf32, #tpu.memory_space<hbm>> -> memref<100000x128xf32, #tpu.memory_space<hbm>>
    tpu.enqueue_indirect_dma source(%dma_start3A_40 : memref<100000x128xf32, #tpu.memory_space<hbm>>) target(%arg15 : memref<128x128xf32, #tpu.memory_space<vmem>>) offsets(%dma_start3A_37 : memref<128xi32, #tpu.memory_space<vmem>>) semaphore(%arg18 : memref<!tpu.dma_semaphore, #tpu.memory_space<semaphore_mem>>)
    %dma_start3A_41 = arith.constant 128 : i32
    %dma_start3A_42 = tpu.memref_slice %arg10[%dma_start3A_41] : memref<512xi32, #tpu.memory_space<vmem>> -> memref<128xi32, #tpu.memory_space<vmem>>
    %dma_start3A_43 = arith.constant 0 : i32
    %dma_start3A_44 = arith.constant 0 : i32
    %dma_start3A_45 = tpu.memref_slice %arg2[%dma_start3A_43, %dma_start3A_44] : memref<100000x128xf32, #tpu.memory_space<hbm>> -> memref<100000x128xf32, #tpu.memory_space<hbm>>
    tpu.enqueue_indirect_dma source(%dma_start3A_45 : memref<100000x128xf32, #tpu.memory_space<hbm>>) target(%arg16 : memref<128x128xf32, #tpu.memory_space<vmem>>) offsets(%dma_start3A_42 : memref<128xi32, #tpu.memory_space<vmem>>) semaphore(%arg18 : memref<!tpu.dma_semaphore, #tpu.memory_space<semaphore_mem>>)
    %scan3A = arith.constant 0 : i32
    %scan3A_46 = arith.constant 0 : i32
    %scan3A_47 = arith.constant 2 : i32
    %scan3A_48 = arith.addi %scan3A_46, %scan3A_47 : i32
    %scan3A_49 = arith.constant 1 : i32
    scf.for %scan3A_51 = %scan3A_46 to %scan3A_48 step %scan3A_49  : i32 {
      %mul3A_52 = arith.constant 2 : i32
      %mul3A_53 = arith.muli %scan3A_51, %mul3A_52 : i32
      %add3A_54 = arith.constant 0 : i32
      %add3A_55 = arith.addi %mul3A_53, %add3A_54 : i32
      %dma_wait3A_56 = arith.constant 0 : i32
      %dma_wait3A_57 = tpu.memref_slice %arg8[%dma_wait3A_56] : memref<512xi32, #tpu.memory_space<vmem>> -> memref<128xi32, #tpu.memory_space<vmem>>
      %dma_wait3A_58 = arith.constant 0 : i32
      %dma_wait3A_59 = arith.constant 0 : i32
      %dma_wait3A_60 = tpu.memref_slice %arg2[%dma_wait3A_58, %dma_wait3A_59] : memref<100000x128xf32, #tpu.memory_space<hbm>> -> memref<100000x128xf32, #tpu.memory_space<hbm>>
      tpu.wait_indirect_dma semaphore(%arg17 : memref<!tpu.dma_semaphore, #tpu.memory_space<semaphore_mem>>) src(%dma_wait3A_60 : memref<100000x128xf32, #tpu.memory_space<hbm>>) dst(%arg11 : memref<128x128xf32, #tpu.memory_space<vmem>>)
      %dma_wait3A_61 = arith.constant 0 : i32
      %dma_wait3A_62 = tpu.memref_slice %arg9[%dma_wait3A_61] : memref<512xi32, #tpu.memory_space<vmem>> -> memref<128xi32, #tpu.memory_space<vmem>>
      %dma_wait3A_63 = arith.constant 0 : i32
      %dma_wait3A_64 = arith.constant 0 : i32
      %dma_wait3A_65 = tpu.memref_slice %arg6[%dma_wait3A_63, %dma_wait3A_64] : memref<100000x128xf32, #tpu.memory_space<hbm>> -> memref<100000x128xf32, #tpu.memory_space<hbm>>
      tpu.wait_indirect_dma semaphore(%arg17 : memref<!tpu.dma_semaphore, #tpu.memory_space<semaphore_mem>>) src(%dma_wait3A_65 : memref<100000x128xf32, #tpu.memory_space<hbm>>) dst(%arg12 : memref<128x128xf32, #tpu.memory_space<vmem>>)
      %dma_wait3A_66 = arith.constant 0 : i32
      %dma_wait3A_67 = tpu.memref_slice %arg10[%dma_wait3A_66] : memref<512xi32, #tpu.memory_space<vmem>> -> memref<128xi32, #tpu.memory_space<vmem>>
      %dma_wait3A_68 = arith.constant 0 : i32
      %dma_wait3A_69 = arith.constant 0 : i32
      %dma_wait3A_70 = tpu.memref_slice %arg2[%dma_wait3A_68, %dma_wait3A_69] : memref<100000x128xf32, #tpu.memory_space<hbm>> -> memref<100000x128xf32, #tpu.memory_space<hbm>>
      tpu.wait_indirect_dma semaphore(%arg17 : memref<!tpu.dma_semaphore, #tpu.memory_space<semaphore_mem>>) src(%dma_wait3A_70 : memref<100000x128xf32, #tpu.memory_space<hbm>>) dst(%arg13 : memref<128x128xf32, #tpu.memory_space<vmem>>)
      %scan3A_71 = arith.constant 0 : i32
      %scan3A_72 = arith.constant 0 : i32
      %scan3A_73 = arith.constant 8 : i32
      %scan3A_74 = arith.addi %scan3A_72, %scan3A_73 : i32
      %scan3A_75 = arith.constant 1 : i32
      scf.for %scan3A_113 = %scan3A_72 to %scan3A_74 step %scan3A_75  : i32 {
        %parallel_loop3A = arith.constant 0 : i32
        %parallel_loop3A_114 = arith.constant 16 : i32
        %parallel_loop3A_115 = arith.constant 1 : i32
        scf.for %parallel_loop3A_202 = %parallel_loop3A to %parallel_loop3A_114 step %parallel_loop3A_115  : i32 {
          %parallel_loop3A_203 = arith.constant 16 : i32
          %parallel_loop3A_204 = arith.muli %scan3A_113, %parallel_loop3A_203 : i32
          %parallel_loop3A_205 = arith.addi %parallel_loop3A_204, %parallel_loop3A_202 : i32
          %parallel_loop3A_206 = arith.constant 0.000000e+00 : f32
          %parallel_loop3A_207 = vector.broadcast %parallel_loop3A_206 : f32 to vector<16xf32>
          %parallel_loop3A_208 = arith.index_cast %parallel_loop3A_205 : i32 to index
          %parallel_loop3A_209 = arith.constant 0 : index
          %parallel_loop3A_210 = tpu.vector_load %arg11[%parallel_loop3A_208, %parallel_loop3A_209] {strides = array<i32>} : memref<128x128xf32, #tpu.memory_space<vmem>>, vector<16xf32>,
          %parallel_loop3A_211 = arith.index_cast %parallel_loop3A_205 : i32 to index
          %parallel_loop3A_212 = arith.constant 0 : index
          %parallel_loop3A_213 = tpu.vector_load %arg12[%parallel_loop3A_211, %parallel_loop3A_212] {strides = array<i32>} : memref<128x128xf32, #tpu.memory_space<vmem>>, vector<16xf32>,
          %parallel_loop3A_214 = arith.index_cast %parallel_loop3A_205 : i32 to index
          %parallel_loop3A_215 = arith.constant 0 : index
          %parallel_loop3A_216 = tpu.vector_load %arg13[%parallel_loop3A_214, %parallel_loop3A_215] {strides = array<i32>} : memref<128x128xf32, #tpu.memory_space<vmem>>, vector<16xf32>,
          %parallel_loop3A_217 = arith.mulf %parallel_loop3A_210, %parallel_loop3A_213 : vector<16xf32>
          %parallel_loop3A_218 = arith.mulf %parallel_loop3A_217, %parallel_loop3A_216 : vector<16xf32>
          %parallel_loop3A_219 = arith.addf %parallel_loop3A_207, %parallel_loop3A_218 : vector<16xf32>
          %parallel_loop3A_220 = arith.index_cast %parallel_loop3A_205 : i32 to index
          %parallel_loop3A_221 = arith.constant 16 : index
          %parallel_loop3A_222 = tpu.vector_load %arg11[%parallel_loop3A_220, %parallel_loop3A_221] {strides = array<i32>} : memref<128x128xf32, #tpu.memory_space<vmem>>, vector<16xf32>,
          %parallel_loop3A_223 = arith.index_cast %parallel_loop3A_205 : i32 to index
          %parallel_loop3A_224 = arith.constant 16 : index
          %parallel_loop3A_225 = tpu.vector_load %arg12[%parallel_loop3A_223, %parallel_loop3A_224] {strides = array<i32>} : memref<128x128xf32, #tpu.memory_space<vmem>>, vector<16xf32>,
          %parallel_loop3A_226 = arith.index_cast %parallel_loop3A_205 : i32 to index
          %parallel_loop3A_227 = arith.constant 16 : index
          %parallel_loop3A_228 = tpu.vector_load %arg13[%parallel_loop3A_226, %parallel_loop3A_227] {strides = array<i32>} : memref<128x128xf32, #tpu.memory_space<vmem>>, vector<16xf32>,
          %parallel_loop3A_229 = arith.mulf %parallel_loop3A_222, %parallel_loop3A_225 : vector<16xf32>
          %parallel_loop3A_230 = arith.mulf %parallel_loop3A_229, %parallel_loop3A_228 : vector<16xf32>
          %parallel_loop3A_231 = arith.addf %parallel_loop3A_219, %parallel_loop3A_230 : vector<16xf32>
          %parallel_loop3A_232 = arith.index_cast %parallel_loop3A_205 : i32 to index
          %parallel_loop3A_233 = arith.constant 32 : index
          %parallel_loop3A_234 = tpu.vector_load %arg11[%parallel_loop3A_232, %parallel_loop3A_233] {strides = array<i32>} : memref<128x128xf32, #tpu.memory_space<vmem>>, vector<16xf32>,
          %parallel_loop3A_235 = arith.index_cast %parallel_loop3A_205 : i32 to index
          %parallel_loop3A_236 = arith.constant 32 : index
          %parallel_loop3A_237 = tpu.vector_load %arg12[%parallel_loop3A_235, %parallel_loop3A_236] {strides = array<i32>} : memref<128x128xf32, #tpu.memory_space<vmem>>, vector<16xf32>,
          %parallel_loop3A_238 = arith.index_cast %parallel_loop3A_205 : i32 to index
          %parallel_loop3A_239 = arith.constant 32 : index
          %parallel_loop3A_240 = tpu.vector_load %arg13[%parallel_loop3A_238, %parallel_loop3A_239] {strides = array<i32>} : memref<128x128xf32, #tpu.memory_space<vmem>>, vector<16xf32>,
          %parallel_loop3A_241 = arith.mulf %parallel_loop3A_234, %parallel_loop3A_237 : vector<16xf32>
          %parallel_loop3A_242 = arith.mulf %parallel_loop3A_241, %parallel_loop3A_240 : vector<16xf32>
          %parallel_loop3A_243 = arith.addf %parallel_loop3A_231, %parallel_loop3A_242 : vector<16xf32>
          %parallel_loop3A_244 = arith.index_cast %parallel_loop3A_205 : i32 to index
          %parallel_loop3A_245 = arith.constant 48 : index
          %parallel_loop3A_246 = tpu.vector_load %arg11[%parallel_loop3A_244, %parallel_loop3A_245] {strides = array<i32>} : memref<128x128xf32, #tpu.memory_space<vmem>>, vector<16xf32>,
          %parallel_loop3A_247 = arith.index_cast %parallel_loop3A_205 : i32 to index
          %parallel_loop3A_248 = arith.constant 48 : index
          %parallel_loop3A_249 = tpu.vector_load %arg12[%parallel_loop3A_247, %parallel_loop3A_248] {strides = array<i32>} : memref<128x128xf32, #tpu.memory_space<vmem>>, vector<16xf32>,
          %parallel_loop3A_250 = arith.index_cast %parallel_loop3A_205 : i32 to index
          %parallel_loop3A_251 = arith.constant 48 : index
          %parallel_loop3A_252 = tpu.vector_load %arg13[%parallel_loop3A_250, %parallel_loop3A_251] {strides = array<i32>} : memref<128x128xf32, #tpu.memory_space<vmem>>, vector<16xf32>,
          %parallel_loop3A_253 = arith.mulf %parallel_loop3A_246, %parallel_loop3A_249 : vector<16xf32>
          %parallel_loop3A_254 = arith.mulf %parallel_loop3A_253, %parallel_loop3A_252 : vector<16xf32>
          %parallel_loop3A_255 = arith.addf %parallel_loop3A_243, %parallel_loop3A_254 : vector<16xf32>
          %parallel_loop3A_256 = arith.index_cast %parallel_loop3A_205 : i32 to index
          %parallel_loop3A_257 = arith.constant 64 : index
          %parallel_loop3A_258 = tpu.vector_load %arg11[%parallel_loop3A_256, %parallel_loop3A_257] {strides = array<i32>} : memref<128x128xf32, #tpu.memory_space<vmem>>, vector<16xf32>,
          %parallel_loop3A_259 = arith.index_cast %parallel_loop3A_205 : i32 to index
          %parallel_loop3A_260 = arith.constant 64 : index
          %parallel_loop3A_261 = tpu.vector_load %arg12[%parallel_loop3A_259, %parallel_loop3A_260] {strides = array<i32>} : memref<128x128xf32, #tpu.memory_space<vmem>>, vector<16xf32>,
          %parallel_loop3A_262 = arith.index_cast %parallel_loop3A_205 : i32 to index
          %parallel_loop3A_263 = arith.constant 64 : index
          %parallel_loop3A_264 = tpu.vector_load %arg13[%parallel_loop3A_262, %parallel_loop3A_263] {strides = array<i32>} : memref<128x128xf32, #tpu.memory_space<vmem>>, vector<16xf32>,
          %parallel_loop3A_265 = arith.mulf %parallel_loop3A_258, %parallel_loop3A_261 : vector<16xf32>
          %parallel_loop3A_266 = arith.mulf %parallel_loop3A_265, %parallel_loop3A_264 : vector<16xf32>
          %parallel_loop3A_267 = arith.addf %parallel_loop3A_255, %parallel_loop3A_266 : vector<16xf32>
          %parallel_loop3A_268 = arith.index_cast %parallel_loop3A_205 : i32 to index
          %parallel_loop3A_269 = arith.constant 80 : index
          %parallel_loop3A_270 = tpu.vector_load %arg11[%parallel_loop3A_268, %parallel_loop3A_269] {strides = array<i32>} : memref<128x128xf32, #tpu.memory_space<vmem>>, vector<16xf32>,
          %parallel_loop3A_271 = arith.index_cast %parallel_loop3A_205 : i32 to index
          %parallel_loop3A_272 = arith.constant 80 : index
          %parallel_loop3A_273 = tpu.vector_load %arg12[%parallel_loop3A_271, %parallel_loop3A_272] {strides = array<i32>} : memref<128x128xf32, #tpu.memory_space<vmem>>, vector<16xf32>,
          %parallel_loop3A_274 = arith.index_cast %parallel_loop3A_205 : i32 to index
          %parallel_loop3A_275 = arith.constant 80 : index
          %parallel_loop3A_276 = tpu.vector_load %arg13[%parallel_loop3A_274, %parallel_loop3A_275] {strides = array<i32>} : memref<128x128xf32, #tpu.memory_space<vmem>>, vector<16xf32>,
          %parallel_loop3A_277 = arith.mulf %parallel_loop3A_270, %parallel_loop3A_273 : vector<16xf32>
          %parallel_loop3A_278 = arith.mulf %parallel_loop3A_277, %parallel_loop3A_276 : vector<16xf32>
          %parallel_loop3A_279 = arith.addf %parallel_loop3A_267, %parallel_loop3A_278 : vector<16xf32>
          %parallel_loop3A_280 = arith.index_cast %parallel_loop3A_205 : i32 to index
          %parallel_loop3A_281 = arith.constant 96 : index
          %parallel_loop3A_282 = tpu.vector_load %arg11[%parallel_loop3A_280, %parallel_loop3A_281] {strides = array<i32>} : memref<128x128xf32, #tpu.memory_space<vmem>>, vector<16xf32>,
          %parallel_loop3A_283 = arith.index_cast %parallel_loop3A_205 : i32 to index
          %parallel_loop3A_284 = arith.constant 96 : index
          %parallel_loop3A_285 = tpu.vector_load %arg12[%parallel_loop3A_283, %parallel_loop3A_284] {strides = array<i32>} : memref<128x128xf32, #tpu.memory_space<vmem>>, vector<16xf32>,
          %parallel_loop3A_286 = arith.index_cast %parallel_loop3A_205 : i32 to index
          %parallel_loop3A_287 = arith.constant 96 : index
          %parallel_loop3A_288 = tpu.vector_load %arg13[%parallel_loop3A_286, %parallel_loop3A_287] {strides = array<i32>} : memref<128x128xf32, #tpu.memory_space<vmem>>, vector<16xf32>,
          %parallel_loop3A_289 = arith.mulf %parallel_loop3A_282, %parallel_loop3A_285 : vector<16xf32>
          %parallel_loop3A_290 = arith.mulf %parallel_loop3A_289, %parallel_loop3A_288 : vector<16xf32>
          %parallel_loop3A_291 = arith.addf %parallel_loop3A_279, %parallel_loop3A_290 : vector<16xf32>
          %parallel_loop3A_292 = arith.index_cast %parallel_loop3A_205 : i32 to index
          %parallel_loop3A_293 = arith.constant 112 : index
          %parallel_loop3A_294 = tpu.vector_load %arg11[%parallel_loop3A_292, %parallel_loop3A_293] {strides = array<i32>} : memref<128x128xf32, #tpu.memory_space<vmem>>, vector<16xf32>,
          %parallel_loop3A_295 = arith.index_cast %parallel_loop3A_205 : i32 to index
          %parallel_loop3A_296 = arith.constant 112 : index
          %parallel_loop3A_297 = tpu.vector_load %arg12[%parallel_loop3A_295, %parallel_loop3A_296] {strides = array<i32>} : memref<128x128xf32, #tpu.memory_space<vmem>>, vector<16xf32>,
          %parallel_loop3A_298 = arith.index_cast %parallel_loop3A_205 : i32 to index
          %parallel_loop3A_299 = arith.constant 112 : index
          %parallel_loop3A_300 = tpu.vector_load %arg13[%parallel_loop3A_298, %parallel_loop3A_299] {strides = array<i32>} : memref<128x128xf32, #tpu.memory_space<vmem>>, vector<16xf32>,
          %parallel_loop3A_301 = arith.mulf %parallel_loop3A_294, %parallel_loop3A_297 : vector<16xf32>
          %parallel_loop3A_302 = arith.mulf %parallel_loop3A_301, %parallel_loop3A_300 : vector<16xf32>
          %parallel_loop3A_303 = arith.addf %parallel_loop3A_291, %parallel_loop3A_302 : vector<16xf32>
          %parallel_loop3A_304 = arith.constant 16 : i32
          %parallel_loop3A_305 = arith.muli %parallel_loop3A_202, %parallel_loop3A_304 : i32
          %parallel_loop3A_306 = arith.index_cast %parallel_loop3A_305 : i32 to index
          %parallel_loop3A_307 = tpu.vector_load %arg19[%parallel_loop3A_306] {strides = array<i32>} : memref<256xf32, #tpu.memory_space<vmem>>, vector<16xf32>,
          tpu.vector_store %arg19[%parallel_loop3A_306], %parallel_loop3A_303 {strides = array<i32>} : memref<256xf32, #tpu.memory_space<vmem>>, vector<16xf32>,
        } {sc.loop_unroll_factor = 4 : i64, sc.parallel_access}
        %broadcast_in_dim3A = arith.constant 0.000000e+00 : f32
        %broadcast_in_dim3A_116 = vector.broadcast %broadcast_in_dim3A : f32 to vector<16xf32>
        %add3A_117 = arith.constant 0 : i32
        %add3A_118 = vector.broadcast %add3A_117 : i32 to vector<16xi32>
        %add3A_119 = arith.addi %mul3A_5, %add3A_118 : vector<16xi32>
        %gather3A = tpu.vector_load_idx %arg19[%add3A_119] : memref<256xf32, #tpu.memory_space<vmem>>[vector<16xi32>], vector<16xf32>,
        %add3A_120 = arith.addf %broadcast_in_dim3A_116, %gather3A : vector<16xf32>
        %add3A_121 = arith.constant 1 : i32
        %add3A_122 = vector.broadcast %add3A_121 : i32 to vector<16xi32>
        %add3A_123 = arith.addi %mul3A_5, %add3A_122 : vector<16xi32>
        %gather3A_124 = tpu.vector_load_idx %arg19[%add3A_123] : memref<256xf32, #tpu.memory_space<vmem>>[vector<16xi32>], vector<16xf32>,
        %add3A_125 = arith.addf %add3A_120, %gather3A_124 : vector<16xf32>
        %add3A_126 = arith.constant 2 : i32
        %add3A_127 = vector.broadcast %add3A_126 : i32 to vector<16xi32>
        %add3A_128 = arith.addi %mul3A_5, %add3A_127 : vector<16xi32>
        %gather3A_129 = tpu.vector_load_idx %arg19[%add3A_128] : memref<256xf32, #tpu.memory_space<vmem>>[vector<16xi32>], vector<16xf32>,
        %add3A_130 = arith.addf %add3A_125, %gather3A_129 : vector<16xf32>
        %add3A_131 = arith.constant 3 : i32
        %add3A_132 = vector.broadcast %add3A_131 : i32 to vector<16xi32>
        %add3A_133 = arith.addi %mul3A_5, %add3A_132 : vector<16xi32>
        %gather3A_134 = tpu.vector_load_idx %arg19[%add3A_133] : memref<256xf32, #tpu.memory_space<vmem>>[vector<16xi32>], vector<16xf32>,
        %add3A_135 = arith.addf %add3A_130, %gather3A_134 : vector<16xf32>
        %add3A_136 = arith.constant 4 : i32
        %add3A_137 = vector.broadcast %add3A_136 : i32 to vector<16xi32>
        %add3A_138 = arith.addi %mul3A_5, %add3A_137 : vector<16xi32>
        %gather3A_139 = tpu.vector_load_idx %arg19[%add3A_138] : memref<256xf32, #tpu.memory_space<vmem>>[vector<16xi32>], vector<16xf32>,
        %add3A_140 = arith.addf %add3A_135, %gather3A_139 : vector<16xf32>
        %add3A_141 = arith.constant 5 : i32
        %add3A_142 = vector.broadcast %add3A_141 : i32 to vector<16xi32>
        %add3A_143 = arith.addi %mul3A_5, %add3A_142 : vector<16xi32>
        %gather3A_144 = tpu.vector_load_idx %arg19[%add3A_143] : memref<256xf32, #tpu.memory_space<vmem>>[vector<16xi32>], vector<16xf32>,
        %add3A_145 = arith.addf %add3A_140, %gather3A_144 : vector<16xf32>
        %add3A_146 = arith.constant 6 : i32
        %add3A_147 = vector.broadcast %add3A_146 : i32 to vector<16xi32>
        %add3A_148 = arith.addi %mul3A_5, %add3A_147 : vector<16xi32>
        %gather3A_149 = tpu.vector_load_idx %arg19[%add3A_148] : memref<256xf32, #tpu.memory_space<vmem>>[vector<16xi32>], vector<16xf32>,
        %add3A_150 = arith.addf %add3A_145, %gather3A_149 : vector<16xf32>
        %add3A_151 = arith.constant 7 : i32
        %add3A_152 = vector.broadcast %add3A_151 : i32 to vector<16xi32>
        %add3A_153 = arith.addi %mul3A_5, %add3A_152 : vector<16xi32>
        %gather3A_154 = tpu.vector_load_idx %arg19[%add3A_153] : memref<256xf32, #tpu.memory_space<vmem>>[vector<16xi32>], vector<16xf32>,
        %add3A_155 = arith.addf %add3A_150, %gather3A_154 : vector<16xf32>
        %add3A_156 = arith.constant 8 : i32
        %add3A_157 = vector.broadcast %add3A_156 : i32 to vector<16xi32>
        %add3A_158 = arith.addi %mul3A_5, %add3A_157 : vector<16xi32>
        %gather3A_159 = tpu.vector_load_idx %arg19[%add3A_158] : memref<256xf32, #tpu.memory_space<vmem>>[vector<16xi32>], vector<16xf32>,
        %add3A_160 = arith.addf %add3A_155, %gather3A_159 : vector<16xf32>
        %add3A_161 = arith.constant 9 : i32
        %add3A_162 = vector.broadcast %add3A_161 : i32 to vector<16xi32>
        %add3A_163 = arith.addi %mul3A_5, %add3A_162 : vector<16xi32>
        %gather3A_164 = tpu.vector_load_idx %arg19[%add3A_163] : memref<256xf32, #tpu.memory_space<vmem>>[vector<16xi32>], vector<16xf32>,
        %add3A_165 = arith.addf %add3A_160, %gather3A_164 : vector<16xf32>
        %add3A_166 = arith.constant 10 : i32
        %add3A_167 = vector.broadcast %add3A_166 : i32 to vector<16xi32>
        %add3A_168 = arith.addi %mul3A_5, %add3A_167 : vector<16xi32>
        %gather3A_169 = tpu.vector_load_idx %arg19[%add3A_168] : memref<256xf32, #tpu.memory_space<vmem>>[vector<16xi32>], vector<16xf32>,
        %add3A_170 = arith.addf %add3A_165, %gather3A_169 : vector<16xf32>
        %add3A_171 = arith.constant 11 : i32
        %add3A_172 = vector.broadcast %add3A_171 : i32 to vector<16xi32>
        %add3A_173 = arith.addi %mul3A_5, %add3A_172 : vector<16xi32>
        %gather3A_174 = tpu.vector_load_idx %arg19[%add3A_173] : memref<256xf32, #tpu.memory_space<vmem>>[vector<16xi32>], vector<16xf32>,
        %add3A_175 = arith.addf %add3A_170, %gather3A_174 : vector<16xf32>
        %add3A_176 = arith.constant 12 : i32
        %add3A_177 = vector.broadcast %add3A_176 : i32 to vector<16xi32>
        %add3A_178 = arith.addi %mul3A_5, %add3A_177 : vector<16xi32>
        %gather3A_179 = tpu.vector_load_idx %arg19[%add3A_178] : memref<256xf32, #tpu.memory_space<vmem>>[vector<16xi32>], vector<16xf32>,
        %add3A_180 = arith.addf %add3A_175, %gather3A_179 : vector<16xf32>
        %add3A_181 = arith.constant 13 : i32
        %add3A_182 = vector.broadcast %add3A_181 : i32 to vector<16xi32>
        %add3A_183 = arith.addi %mul3A_5, %add3A_182 : vector<16xi32>
        %gather3A_184 = tpu.vector_load_idx %arg19[%add3A_183] : memref<256xf32, #tpu.memory_space<vmem>>[vector<16xi32>], vector<16xf32>,
        %add3A_185 = arith.addf %add3A_180, %gather3A_184 : vector<16xf32>
        %add3A_186 = arith.constant 14 : i32
        %add3A_187 = vector.broadcast %add3A_186 : i32 to vector<16xi32>
        %add3A_188 = arith.addi %mul3A_5, %add3A_187 : vector<16xi32>
        %gather3A_189 = tpu.vector_load_idx %arg19[%add3A_188] : memref<256xf32, #tpu.memory_space<vmem>>[vector<16xi32>], vector<16xf32>,
        %add3A_190 = arith.addf %add3A_185, %gather3A_189 : vector<16xf32>
        %add3A_191 = arith.constant 15 : i32
        %add3A_192 = vector.broadcast %add3A_191 : i32 to vector<16xi32>
        %add3A_193 = arith.addi %mul3A_5, %add3A_192 : vector<16xi32>
        %gather3A_194 = tpu.vector_load_idx %arg19[%add3A_193] : memref<256xf32, #tpu.memory_space<vmem>>[vector<16xi32>], vector<16xf32>,
        %add3A_195 = arith.addf %add3A_190, %gather3A_194 : vector<16xf32>
        %mul3A_196 = arith.constant 128 : i32
        %mul3A_197 = arith.muli %add3A_55, %mul3A_196 : i32
        %mul3A_198 = arith.constant 16 : i32
        %mul3A_199 = arith.muli %scan3A_113, %mul3A_198 : i32
        %add3A_200 = arith.addi %mul3A_197, %mul3A_199 : i32
        %swap3A = arith.index_cast %add3A_200 : i32 to index
        %swap3A_201 = tpu.vector_load %arg20[%swap3A] {strides = array<i32>} : memref<512xf32, #tpu.memory_space<vmem>>, vector<16xf32>,
        tpu.vector_store %arg20[%swap3A], %add3A_195 {strides = array<i32>} : memref<512xf32, #tpu.memory_space<vmem>>, vector<16xf32>,
      }
      %scan3A_76 = arith.constant 8 : i32
      %add3A_77 = arith.constant 1 : i32
      %add3A_78 = arith.addi %scan3A_51, %add3A_77 : i32
      %lt3A = arith.constant 2 : i32
      %lt3A_79 = arith.cmpi slt, %add3A_78, %lt3A : i32
      %convert_element_type3A = arith.extui %lt3A_79 : i1 to i32
      %cond3A = arith.constant 0 : i32
      %cond3A_80 = arith.cmpi ne, %convert_element_type3A, %cond3A : i32
      scf.if %cond3A_80 {
        %add3A_113 = arith.constant 2 : i32
        %add3A_114 = arith.addi %add3A_55, %add3A_113 : i32
        %mul3A_115 = arith.constant 128 : i32
        %mul3A_116 = arith.muli %add3A_114, %mul3A_115 : i32
        %dma_start3A_117 = tpu.memref_slice %arg8[%mul3A_116] : memref<512xi32, #tpu.memory_space<vmem>> -> memref<128xi32, #tpu.memory_space<vmem>>
        %dma_start3A_118 = arith.constant 0 : i32
        %dma_start3A_119 = arith.constant 0 : i32
        %dma_start3A_120 = tpu.memref_slice %arg2[%dma_start3A_118, %dma_start3A_119] : memref<100000x128xf32, #tpu.memory_space<hbm>> -> memref<100000x128xf32, #tpu.memory_space<hbm>>
        tpu.enqueue_indirect_dma source(%dma_start3A_120 : memref<100000x128xf32, #tpu.memory_space<hbm>>) target(%arg11 : memref<128x128xf32, #tpu.memory_space<vmem>>) offsets(%dma_start3A_117 : memref<128xi32, #tpu.memory_space<vmem>>) semaphore(%arg17 : memref<!tpu.dma_semaphore, #tpu.memory_space<semaphore_mem>>)
        %dma_start3A_121 = tpu.memref_slice %arg9[%mul3A_116] : memref<512xi32, #tpu.memory_space<vmem>> -> memref<128xi32, #tpu.memory_space<vmem>>
        %dma_start3A_122 = arith.constant 0 : i32
        %dma_start3A_123 = arith.constant 0 : i32
        %dma_start3A_124 = tpu.memref_slice %arg6[%dma_start3A_122, %dma_start3A_123] : memref<100000x128xf32, #tpu.memory_space<hbm>> -> memref<100000x128xf32, #tpu.memory_space<hbm>>
        tpu.enqueue_indirect_dma source(%dma_start3A_124 : memref<100000x128xf32, #tpu.memory_space<hbm>>) target(%arg12 : memref<128x128xf32, #tpu.memory_space<vmem>>) offsets(%dma_start3A_121 : memref<128xi32, #tpu.memory_space<vmem>>) semaphore(%arg17 : memref<!tpu.dma_semaphore, #tpu.memory_space<semaphore_mem>>)
        %dma_start3A_125 = tpu.memref_slice %arg10[%mul3A_116] : memref<512xi32, #tpu.memory_space<vmem>> -> memref<128xi32, #tpu.memory_space<vmem>>
        %dma_start3A_126 = arith.constant 0 : i32
        %dma_start3A_127 = arith.constant 0 : i32
        %dma_start3A_128 = tpu.memref_slice %arg2[%dma_start3A_126, %dma_start3A_127] : memref<100000x128xf32, #tpu.memory_space<hbm>> -> memref<100000x128xf32, #tpu.memory_space<hbm>>
        tpu.enqueue_indirect_dma source(%dma_start3A_128 : memref<100000x128xf32, #tpu.memory_space<hbm>>) target(%arg13 : memref<128x128xf32, #tpu.memory_space<vmem>>) offsets(%dma_start3A_125 : memref<128xi32, #tpu.memory_space<vmem>>) semaphore(%arg17 : memref<!tpu.dma_semaphore, #tpu.memory_space<semaphore_mem>>)
      } else {
      }
      %mul3A_81 = arith.constant 2 : i32
      %mul3A_82 = arith.muli %scan3A_51, %mul3A_81 : i32
      %add3A_83 = arith.constant 1 : i32
      %add3A_84 = arith.addi %mul3A_82, %add3A_83 : i32
      %dma_wait3A_85 = arith.constant 0 : i32
      %dma_wait3A_86 = tpu.memref_slice %arg8[%dma_wait3A_85] : memref<512xi32, #tpu.memory_space<vmem>> -> memref<128xi32, #tpu.memory_space<vmem>>
      %dma_wait3A_87 = arith.constant 0 : i32
      %dma_wait3A_88 = arith.constant 0 : i32
      %dma_wait3A_89 = tpu.memref_slice %arg2[%dma_wait3A_87, %dma_wait3A_88] : memref<100000x128xf32, #tpu.memory_space<hbm>> -> memref<100000x128xf32, #tpu.memory_space<hbm>>
      tpu.wait_indirect_dma semaphore(%arg18 : memref<!tpu.dma_semaphore, #tpu.memory_space<semaphore_mem>>) src(%dma_wait3A_89 : memref<100000x128xf32, #tpu.memory_space<hbm>>) dst(%arg14 : memref<128x128xf32, #tpu.memory_space<vmem>>)
      %dma_wait3A_90 = arith.constant 0 : i32
      %dma_wait3A_91 = tpu.memref_slice %arg9[%dma_wait3A_90] : memref<512xi32, #tpu.memory_space<vmem>> -> memref<128xi32, #tpu.memory_space<vmem>>
      %dma_wait3A_92 = arith.constant 0 : i32
      %dma_wait3A_93 = arith.constant 0 : i32
      %dma_wait3A_94 = tpu.memref_slice %arg6[%dma_wait3A_92, %dma_wait3A_93] : memref<100000x128xf32, #tpu.memory_space<hbm>> -> memref<100000x128xf32, #tpu.memory_space<hbm>>
      tpu.wait_indirect_dma semaphore(%arg18 : memref<!tpu.dma_semaphore, #tpu.memory_space<semaphore_mem>>) src(%dma_wait3A_94 : memref<100000x128xf32, #tpu.memory_space<hbm>>) dst(%arg15 : memref<128x128xf32, #tpu.memory_space<vmem>>)
      %dma_wait3A_95 = arith.constant 0 : i32
      %dma_wait3A_96 = tpu.memref_slice %arg10[%dma_wait3A_95] : memref<512xi32, #tpu.memory_space<vmem>> -> memref<128xi32, #tpu.memory_space<vmem>>
      %dma_wait3A_97 = arith.constant 0 : i32
      %dma_wait3A_98 = arith.constant 0 : i32
      %dma_wait3A_99 = tpu.memref_slice %arg2[%dma_wait3A_97, %dma_wait3A_98] : memref<100000x128xf32, #tpu.memory_space<hbm>> -> memref<100000x128xf32, #tpu.memory_space<hbm>>
      tpu.wait_indirect_dma semaphore(%arg18 : memref<!tpu.dma_semaphore, #tpu.memory_space<semaphore_mem>>) src(%dma_wait3A_99 : memref<100000x128xf32, #tpu.memory_space<hbm>>) dst(%arg16 : memref<128x128xf32, #tpu.memory_space<vmem>>)
      %scan3A_100 = arith.constant 0 : i32
      %scan3A_101 = arith.constant 0 : i32
      %scan3A_102 = arith.constant 8 : i32
      %scan3A_103 = arith.addi %scan3A_101, %scan3A_102 : i32
      %scan3A_104 = arith.constant 1 : i32
      scf.for %scan3A_113 = %scan3A_101 to %scan3A_103 step %scan3A_104  : i32 {
        %parallel_loop3A = arith.constant 0 : i32
        %parallel_loop3A_114 = arith.constant 16 : i32
        %parallel_loop3A_115 = arith.constant 1 : i32
        scf.for %parallel_loop3A_202 = %parallel_loop3A to %parallel_loop3A_114 step %parallel_loop3A_115  : i32 {
          %parallel_loop3A_203 = arith.constant 16 : i32
          %parallel_loop3A_204 = arith.muli %scan3A_113, %parallel_loop3A_203 : i32
          %parallel_loop3A_205 = arith.addi %parallel_loop3A_204, %parallel_loop3A_202 : i32
          %parallel_loop3A_206 = arith.constant 0.000000e+00 : f32
          %parallel_loop3A_207 = vector.broadcast %parallel_loop3A_206 : f32 to vector<16xf32>
          %parallel_loop3A_208 = arith.index_cast %parallel_loop3A_205 : i32 to index
          %parallel_loop3A_209 = arith.constant 0 : index
          %parallel_loop3A_210 = tpu.vector_load %arg14[%parallel_loop3A_208, %parallel_loop3A_209] {strides = array<i32>} : memref<128x128xf32, #tpu.memory_space<vmem>>, vector<16xf32>,
          %parallel_loop3A_211 = arith.index_cast %parallel_loop3A_205 : i32 to index
          %parallel_loop3A_212 = arith.constant 0 : index
          %parallel_loop3A_213 = tpu.vector_load %arg15[%parallel_loop3A_211, %parallel_loop3A_212] {strides = array<i32>} : memref<128x128xf32, #tpu.memory_space<vmem>>, vector<16xf32>,
          %parallel_loop3A_214 = arith.index_cast %parallel_loop3A_205 : i32 to index
          %parallel_loop3A_215 = arith.constant 0 : index
          %parallel_loop3A_216 = tpu.vector_load %arg16[%parallel_loop3A_214, %parallel_loop3A_215] {strides = array<i32>} : memref<128x128xf32, #tpu.memory_space<vmem>>, vector<16xf32>,
          %parallel_loop3A_217 = arith.mulf %parallel_loop3A_210, %parallel_loop3A_213 : vector<16xf32>
          %parallel_loop3A_218 = arith.mulf %parallel_loop3A_217, %parallel_loop3A_216 : vector<16xf32>
          %parallel_loop3A_219 = arith.addf %parallel_loop3A_207, %parallel_loop3A_218 : vector<16xf32>
          %parallel_loop3A_220 = arith.index_cast %parallel_loop3A_205 : i32 to index
          %parallel_loop3A_221 = arith.constant 16 : index
          %parallel_loop3A_222 = tpu.vector_load %arg14[%parallel_loop3A_220, %parallel_loop3A_221] {strides = array<i32>} : memref<128x128xf32, #tpu.memory_space<vmem>>, vector<16xf32>,
          %parallel_loop3A_223 = arith.index_cast %parallel_loop3A_205 : i32 to index
          %parallel_loop3A_224 = arith.constant 16 : index
          %parallel_loop3A_225 = tpu.vector_load %arg15[%parallel_loop3A_223, %parallel_loop3A_224] {strides = array<i32>} : memref<128x128xf32, #tpu.memory_space<vmem>>, vector<16xf32>,
          %parallel_loop3A_226 = arith.index_cast %parallel_loop3A_205 : i32 to index
          %parallel_loop3A_227 = arith.constant 16 : index
          %parallel_loop3A_228 = tpu.vector_load %arg16[%parallel_loop3A_226, %parallel_loop3A_227] {strides = array<i32>} : memref<128x128xf32, #tpu.memory_space<vmem>>, vector<16xf32>,
          %parallel_loop3A_229 = arith.mulf %parallel_loop3A_222, %parallel_loop3A_225 : vector<16xf32>
          %parallel_loop3A_230 = arith.mulf %parallel_loop3A_229, %parallel_loop3A_228 : vector<16xf32>
          %parallel_loop3A_231 = arith.addf %parallel_loop3A_219, %parallel_loop3A_230 : vector<16xf32>
          %parallel_loop3A_232 = arith.index_cast %parallel_loop3A_205 : i32 to index
          %parallel_loop3A_233 = arith.constant 32 : index
          %parallel_loop3A_234 = tpu.vector_load %arg14[%parallel_loop3A_232, %parallel_loop3A_233] {strides = array<i32>} : memref<128x128xf32, #tpu.memory_space<vmem>>, vector<16xf32>,
          %parallel_loop3A_235 = arith.index_cast %parallel_loop3A_205 : i32 to index
          %parallel_loop3A_236 = arith.constant 32 : index
          %parallel_loop3A_237 = tpu.vector_load %arg15[%parallel_loop3A_235, %parallel_loop3A_236] {strides = array<i32>} : memref<128x128xf32, #tpu.memory_space<vmem>>, vector<16xf32>,
          %parallel_loop3A_238 = arith.index_cast %parallel_loop3A_205 : i32 to index
          %parallel_loop3A_239 = arith.constant 32 : index
          %parallel_loop3A_240 = tpu.vector_load %arg16[%parallel_loop3A_238, %parallel_loop3A_239] {strides = array<i32>} : memref<128x128xf32, #tpu.memory_space<vmem>>, vector<16xf32>,
          %parallel_loop3A_241 = arith.mulf %parallel_loop3A_234, %parallel_loop3A_237 : vector<16xf32>
          %parallel_loop3A_242 = arith.mulf %parallel_loop3A_241, %parallel_loop3A_240 : vector<16xf32>
          %parallel_loop3A_243 = arith.addf %parallel_loop3A_231, %parallel_loop3A_242 : vector<16xf32>
          %parallel_loop3A_244 = arith.index_cast %parallel_loop3A_205 : i32 to index
          %parallel_loop3A_245 = arith.constant 48 : index
          %parallel_loop3A_246 = tpu.vector_load %arg14[%parallel_loop3A_244, %parallel_loop3A_245] {strides = array<i32>} : memref<128x128xf32, #tpu.memory_space<vmem>>, vector<16xf32>,
          %parallel_loop3A_247 = arith.index_cast %parallel_loop3A_205 : i32 to index
          %parallel_loop3A_248 = arith.constant 48 : index
          %parallel_loop3A_249 = tpu.vector_load %arg15[%parallel_loop3A_247, %parallel_loop3A_248] {strides = array<i32>} : memref<128x128xf32, #tpu.memory_space<vmem>>, vector<16xf32>,
          %parallel_loop3A_250 = arith.index_cast %parallel_loop3A_205 : i32 to index
          %parallel_loop3A_251 = arith.constant 48 : index
          %parallel_loop3A_252 = tpu.vector_load %arg16[%parallel_loop3A_250, %parallel_loop3A_251] {strides = array<i32>} : memref<128x128xf32, #tpu.memory_space<vmem>>, vector<16xf32>,
          %parallel_loop3A_253 = arith.mulf %parallel_loop3A_246, %parallel_loop3A_249 : vector<16xf32>
          %parallel_loop3A_254 = arith.mulf %parallel_loop3A_253, %parallel_loop3A_252 : vector<16xf32>
          %parallel_loop3A_255 = arith.addf %parallel_loop3A_243, %parallel_loop3A_254 : vector<16xf32>
          %parallel_loop3A_256 = arith.index_cast %parallel_loop3A_205 : i32 to index
          %parallel_loop3A_257 = arith.constant 64 : index
          %parallel_loop3A_258 = tpu.vector_load %arg14[%parallel_loop3A_256, %parallel_loop3A_257] {strides = array<i32>} : memref<128x128xf32, #tpu.memory_space<vmem>>, vector<16xf32>,
          %parallel_loop3A_259 = arith.index_cast %parallel_loop3A_205 : i32 to index
          %parallel_loop3A_260 = arith.constant 64 : index
          %parallel_loop3A_261 = tpu.vector_load %arg15[%parallel_loop3A_259, %parallel_loop3A_260] {strides = array<i32>} : memref<128x128xf32, #tpu.memory_space<vmem>>, vector<16xf32>,
          %parallel_loop3A_262 = arith.index_cast %parallel_loop3A_205 : i32 to index
          %parallel_loop3A_263 = arith.constant 64 : index
          %parallel_loop3A_264 = tpu.vector_load %arg16[%parallel_loop3A_262, %parallel_loop3A_263] {strides = array<i32>} : memref<128x128xf32, #tpu.memory_space<vmem>>, vector<16xf32>,
          %parallel_loop3A_265 = arith.mulf %parallel_loop3A_258, %parallel_loop3A_261 : vector<16xf32>
          %parallel_loop3A_266 = arith.mulf %parallel_loop3A_265, %parallel_loop3A_264 : vector<16xf32>
          %parallel_loop3A_267 = arith.addf %parallel_loop3A_255, %parallel_loop3A_266 : vector<16xf32>
          %parallel_loop3A_268 = arith.index_cast %parallel_loop3A_205 : i32 to index
          %parallel_loop3A_269 = arith.constant 80 : index
          %parallel_loop3A_270 = tpu.vector_load %arg14[%parallel_loop3A_268, %parallel_loop3A_269] {strides = array<i32>} : memref<128x128xf32, #tpu.memory_space<vmem>>, vector<16xf32>,
          %parallel_loop3A_271 = arith.index_cast %parallel_loop3A_205 : i32 to index
          %parallel_loop3A_272 = arith.constant 80 : index
          %parallel_loop3A_273 = tpu.vector_load %arg15[%parallel_loop3A_271, %parallel_loop3A_272] {strides = array<i32>} : memref<128x128xf32, #tpu.memory_space<vmem>>, vector<16xf32>,
          %parallel_loop3A_274 = arith.index_cast %parallel_loop3A_205 : i32 to index
          %parallel_loop3A_275 = arith.constant 80 : index
          %parallel_loop3A_276 = tpu.vector_load %arg16[%parallel_loop3A_274, %parallel_loop3A_275] {strides = array<i32>} : memref<128x128xf32, #tpu.memory_space<vmem>>, vector<16xf32>,
          %parallel_loop3A_277 = arith.mulf %parallel_loop3A_270, %parallel_loop3A_273 : vector<16xf32>
          %parallel_loop3A_278 = arith.mulf %parallel_loop3A_277, %parallel_loop3A_276 : vector<16xf32>
          %parallel_loop3A_279 = arith.addf %parallel_loop3A_267, %parallel_loop3A_278 : vector<16xf32>
          %parallel_loop3A_280 = arith.index_cast %parallel_loop3A_205 : i32 to index
          %parallel_loop3A_281 = arith.constant 96 : index
          %parallel_loop3A_282 = tpu.vector_load %arg14[%parallel_loop3A_280, %parallel_loop3A_281] {strides = array<i32>} : memref<128x128xf32, #tpu.memory_space<vmem>>, vector<16xf32>,
          %parallel_loop3A_283 = arith.index_cast %parallel_loop3A_205 : i32 to index
          %parallel_loop3A_284 = arith.constant 96 : index
          %parallel_loop3A_285 = tpu.vector_load %arg15[%parallel_loop3A_283, %parallel_loop3A_284] {strides = array<i32>} : memref<128x128xf32, #tpu.memory_space<vmem>>, vector<16xf32>,
          %parallel_loop3A_286 = arith.index_cast %parallel_loop3A_205 : i32 to index
          %parallel_loop3A_287 = arith.constant 96 : index
          %parallel_loop3A_288 = tpu.vector_load %arg16[%parallel_loop3A_286, %parallel_loop3A_287] {strides = array<i32>} : memref<128x128xf32, #tpu.memory_space<vmem>>, vector<16xf32>,
          %parallel_loop3A_289 = arith.mulf %parallel_loop3A_282, %parallel_loop3A_285 : vector<16xf32>
          %parallel_loop3A_290 = arith.mulf %parallel_loop3A_289, %parallel_loop3A_288 : vector<16xf32>
          %parallel_loop3A_291 = arith.addf %parallel_loop3A_279, %parallel_loop3A_290 : vector<16xf32>
          %parallel_loop3A_292 = arith.index_cast %parallel_loop3A_205 : i32 to index
          %parallel_loop3A_293 = arith.constant 112 : index
          %parallel_loop3A_294 = tpu.vector_load %arg14[%parallel_loop3A_292, %parallel_loop3A_293] {strides = array<i32>} : memref<128x128xf32, #tpu.memory_space<vmem>>, vector<16xf32>,
          %parallel_loop3A_295 = arith.index_cast %parallel_loop3A_205 : i32 to index
          %parallel_loop3A_296 = arith.constant 112 : index
          %parallel_loop3A_297 = tpu.vector_load %arg15[%parallel_loop3A_295, %parallel_loop3A_296] {strides = array<i32>} : memref<128x128xf32, #tpu.memory_space<vmem>>, vector<16xf32>,
          %parallel_loop3A_298 = arith.index_cast %parallel_loop3A_205 : i32 to index
          %parallel_loop3A_299 = arith.constant 112 : index
          %parallel_loop3A_300 = tpu.vector_load %arg16[%parallel_loop3A_298, %parallel_loop3A_299] {strides = array<i32>} : memref<128x128xf32, #tpu.memory_space<vmem>>, vector<16xf32>,
          %parallel_loop3A_301 = arith.mulf %parallel_loop3A_294, %parallel_loop3A_297 : vector<16xf32>
          %parallel_loop3A_302 = arith.mulf %parallel_loop3A_301, %parallel_loop3A_300 : vector<16xf32>
          %parallel_loop3A_303 = arith.addf %parallel_loop3A_291, %parallel_loop3A_302 : vector<16xf32>
          %parallel_loop3A_304 = arith.constant 16 : i32
          %parallel_loop3A_305 = arith.muli %parallel_loop3A_202, %parallel_loop3A_304 : i32
          %parallel_loop3A_306 = arith.index_cast %parallel_loop3A_305 : i32 to index
          %parallel_loop3A_307 = tpu.vector_load %arg19[%parallel_loop3A_306] {strides = array<i32>} : memref<256xf32, #tpu.memory_space<vmem>>, vector<16xf32>,
          tpu.vector_store %arg19[%parallel_loop3A_306], %parallel_loop3A_303 {strides = array<i32>} : memref<256xf32, #tpu.memory_space<vmem>>, vector<16xf32>,
        } {sc.loop_unroll_factor = 4 : i64, sc.parallel_access}
        %broadcast_in_dim3A = arith.constant 0.000000e+00 : f32
        %broadcast_in_dim3A_116 = vector.broadcast %broadcast_in_dim3A : f32 to vector<16xf32>
        %add3A_117 = arith.constant 0 : i32
        %add3A_118 = vector.broadcast %add3A_117 : i32 to vector<16xi32>
        %add3A_119 = arith.addi %mul3A_5, %add3A_118 : vector<16xi32>
        %gather3A = tpu.vector_load_idx %arg19[%add3A_119] : memref<256xf32, #tpu.memory_space<vmem>>[vector<16xi32>], vector<16xf32>,
        %add3A_120 = arith.addf %broadcast_in_dim3A_116, %gather3A : vector<16xf32>
        %add3A_121 = arith.constant 1 : i32
        %add3A_122 = vector.broadcast %add3A_121 : i32 to vector<16xi32>
        %add3A_123 = arith.addi %mul3A_5, %add3A_122 : vector<16xi32>
        %gather3A_124 = tpu.vector_load_idx %arg19[%add3A_123] : memref<256xf32, #tpu.memory_space<vmem>>[vector<16xi32>], vector<16xf32>,
        %add3A_125 = arith.addf %add3A_120, %gather3A_124 : vector<16xf32>
        %add3A_126 = arith.constant 2 : i32
        %add3A_127 = vector.broadcast %add3A_126 : i32 to vector<16xi32>
        %add3A_128 = arith.addi %mul3A_5, %add3A_127 : vector<16xi32>
        %gather3A_129 = tpu.vector_load_idx %arg19[%add3A_128] : memref<256xf32, #tpu.memory_space<vmem>>[vector<16xi32>], vector<16xf32>,
        %add3A_130 = arith.addf %add3A_125, %gather3A_129 : vector<16xf32>
        %add3A_131 = arith.constant 3 : i32
        %add3A_132 = vector.broadcast %add3A_131 : i32 to vector<16xi32>
        %add3A_133 = arith.addi %mul3A_5, %add3A_132 : vector<16xi32>
        %gather3A_134 = tpu.vector_load_idx %arg19[%add3A_133] : memref<256xf32, #tpu.memory_space<vmem>>[vector<16xi32>], vector<16xf32>,
        %add3A_135 = arith.addf %add3A_130, %gather3A_134 : vector<16xf32>
        %add3A_136 = arith.constant 4 : i32
        %add3A_137 = vector.broadcast %add3A_136 : i32 to vector<16xi32>
        %add3A_138 = arith.addi %mul3A_5, %add3A_137 : vector<16xi32>
        %gather3A_139 = tpu.vector_load_idx %arg19[%add3A_138] : memref<256xf32, #tpu.memory_space<vmem>>[vector<16xi32>], vector<16xf32>,
        %add3A_140 = arith.addf %add3A_135, %gather3A_139 : vector<16xf32>
        %add3A_141 = arith.constant 5 : i32
        %add3A_142 = vector.broadcast %add3A_141 : i32 to vector<16xi32>
        %add3A_143 = arith.addi %mul3A_5, %add3A_142 : vector<16xi32>
        %gather3A_144 = tpu.vector_load_idx %arg19[%add3A_143] : memref<256xf32, #tpu.memory_space<vmem>>[vector<16xi32>], vector<16xf32>,
        %add3A_145 = arith.addf %add3A_140, %gather3A_144 : vector<16xf32>
        %add3A_146 = arith.constant 6 : i32
        %add3A_147 = vector.broadcast %add3A_146 : i32 to vector<16xi32>
        %add3A_148 = arith.addi %mul3A_5, %add3A_147 : vector<16xi32>
        %gather3A_149 = tpu.vector_load_idx %arg19[%add3A_148] : memref<256xf32, #tpu.memory_space<vmem>>[vector<16xi32>], vector<16xf32>,
        %add3A_150 = arith.addf %add3A_145, %gather3A_149 : vector<16xf32>
        %add3A_151 = arith.constant 7 : i32
        %add3A_152 = vector.broadcast %add3A_151 : i32 to vector<16xi32>
        %add3A_153 = arith.addi %mul3A_5, %add3A_152 : vector<16xi32>
        %gather3A_154 = tpu.vector_load_idx %arg19[%add3A_153] : memref<256xf32, #tpu.memory_space<vmem>>[vector<16xi32>], vector<16xf32>,
        %add3A_155 = arith.addf %add3A_150, %gather3A_154 : vector<16xf32>
        %add3A_156 = arith.constant 8 : i32
        %add3A_157 = vector.broadcast %add3A_156 : i32 to vector<16xi32>
        %add3A_158 = arith.addi %mul3A_5, %add3A_157 : vector<16xi32>
        %gather3A_159 = tpu.vector_load_idx %arg19[%add3A_158] : memref<256xf32, #tpu.memory_space<vmem>>[vector<16xi32>], vector<16xf32>,
        %add3A_160 = arith.addf %add3A_155, %gather3A_159 : vector<16xf32>
        %add3A_161 = arith.constant 9 : i32
        %add3A_162 = vector.broadcast %add3A_161 : i32 to vector<16xi32>
        %add3A_163 = arith.addi %mul3A_5, %add3A_162 : vector<16xi32>
        %gather3A_164 = tpu.vector_load_idx %arg19[%add3A_163] : memref<256xf32, #tpu.memory_space<vmem>>[vector<16xi32>], vector<16xf32>,
        %add3A_165 = arith.addf %add3A_160, %gather3A_164 : vector<16xf32>
        %add3A_166 = arith.constant 10 : i32
        %add3A_167 = vector.broadcast %add3A_166 : i32 to vector<16xi32>
        %add3A_168 = arith.addi %mul3A_5, %add3A_167 : vector<16xi32>
        %gather3A_169 = tpu.vector_load_idx %arg19[%add3A_168] : memref<256xf32, #tpu.memory_space<vmem>>[vector<16xi32>], vector<16xf32>,
        %add3A_170 = arith.addf %add3A_165, %gather3A_169 : vector<16xf32>
        %add3A_171 = arith.constant 11 : i32
        %add3A_172 = vector.broadcast %add3A_171 : i32 to vector<16xi32>
        %add3A_173 = arith.addi %mul3A_5, %add3A_172 : vector<16xi32>
        %gather3A_174 = tpu.vector_load_idx %arg19[%add3A_173] : memref<256xf32, #tpu.memory_space<vmem>>[vector<16xi32>], vector<16xf32>,
        %add3A_175 = arith.addf %add3A_170, %gather3A_174 : vector<16xf32>
        %add3A_176 = arith.constant 12 : i32
        %add3A_177 = vector.broadcast %add3A_176 : i32 to vector<16xi32>
        %add3A_178 = arith.addi %mul3A_5, %add3A_177 : vector<16xi32>
        %gather3A_179 = tpu.vector_load_idx %arg19[%add3A_178] : memref<256xf32, #tpu.memory_space<vmem>>[vector<16xi32>], vector<16xf32>,
        %add3A_180 = arith.addf %add3A_175, %gather3A_179 : vector<16xf32>
        %add3A_181 = arith.constant 13 : i32
        %add3A_182 = vector.broadcast %add3A_181 : i32 to vector<16xi32>
        %add3A_183 = arith.addi %mul3A_5, %add3A_182 : vector<16xi32>
        %gather3A_184 = tpu.vector_load_idx %arg19[%add3A_183] : memref<256xf32, #tpu.memory_space<vmem>>[vector<16xi32>], vector<16xf32>,
        %add3A_185 = arith.addf %add3A_180, %gather3A_184 : vector<16xf32>
        %add3A_186 = arith.constant 14 : i32
        %add3A_187 = vector.broadcast %add3A_186 : i32 to vector<16xi32>
        %add3A_188 = arith.addi %mul3A_5, %add3A_187 : vector<16xi32>
        %gather3A_189 = tpu.vector_load_idx %arg19[%add3A_188] : memref<256xf32, #tpu.memory_space<vmem>>[vector<16xi32>], vector<16xf32>,
        %add3A_190 = arith.addf %add3A_185, %gather3A_189 : vector<16xf32>
        %add3A_191 = arith.constant 15 : i32
        %add3A_192 = vector.broadcast %add3A_191 : i32 to vector<16xi32>
        %add3A_193 = arith.addi %mul3A_5, %add3A_192 : vector<16xi32>
        %gather3A_194 = tpu.vector_load_idx %arg19[%add3A_193] : memref<256xf32, #tpu.memory_space<vmem>>[vector<16xi32>], vector<16xf32>,
        %add3A_195 = arith.addf %add3A_190, %gather3A_194 : vector<16xf32>
        %mul3A_196 = arith.constant 128 : i32
        %mul3A_197 = arith.muli %add3A_84, %mul3A_196 : i32
        %mul3A_198 = arith.constant 16 : i32
        %mul3A_199 = arith.muli %scan3A_113, %mul3A_198 : i32
        %add3A_200 = arith.addi %mul3A_197, %mul3A_199 : i32
        %swap3A = arith.index_cast %add3A_200 : i32 to index
        %swap3A_201 = tpu.vector_load %arg20[%swap3A] {strides = array<i32>} : memref<512xf32, #tpu.memory_space<vmem>>, vector<16xf32>,
        tpu.vector_store %arg20[%swap3A], %add3A_195 {strides = array<i32>} : memref<512xf32, #tpu.memory_space<vmem>>, vector<16xf32>,
      }
      %scan3A_105 = arith.constant 8 : i32
      %add3A_106 = arith.constant 1 : i32
      %add3A_107 = arith.addi %scan3A_51, %add3A_106 : i32
      %lt3A_108 = arith.constant 2 : i32
      %lt3A_109 = arith.cmpi slt, %add3A_107, %lt3A_108 : i32
      %convert_element_type3A_110 = arith.extui %lt3A_109 : i1 to i32
      %cond3A_111 = arith.constant 0 : i32
      %cond3A_112 = arith.cmpi ne, %convert_element_type3A_110, %cond3A_111 : i32
      scf.if %cond3A_112 {
        %add3A_113 = arith.constant 2 : i32
        %add3A_114 = arith.addi %add3A_84, %add3A_113 : i32
        %mul3A_115 = arith.constant 128 : i32
        %mul3A_116 = arith.muli %add3A_114, %mul3A_115 : i32
        %dma_start3A_117 = tpu.memref_slice %arg8[%mul3A_116] : memref<512xi32, #tpu.memory_space<vmem>> -> memref<128xi32, #tpu.memory_space<vmem>>
        %dma_start3A_118 = arith.constant 0 : i32
        %dma_start3A_119 = arith.constant 0 : i32
        %dma_start3A_120 = tpu.memref_slice %arg2[%dma_start3A_118, %dma_start3A_119] : memref<100000x128xf32, #tpu.memory_space<hbm>> -> memref<100000x128xf32, #tpu.memory_space<hbm>>
        tpu.enqueue_indirect_dma source(%dma_start3A_120 : memref<100000x128xf32, #tpu.memory_space<hbm>>) target(%arg14 : memref<128x128xf32, #tpu.memory_space<vmem>>) offsets(%dma_start3A_117 : memref<128xi32, #tpu.memory_space<vmem>>) semaphore(%arg18 : memref<!tpu.dma_semaphore, #tpu.memory_space<semaphore_mem>>)
        %dma_start3A_121 = tpu.memref_slice %arg9[%mul3A_116] : memref<512xi32, #tpu.memory_space<vmem>> -> memref<128xi32, #tpu.memory_space<vmem>>
        %dma_start3A_122 = arith.constant 0 : i32
        %dma_start3A_123 = arith.constant 0 : i32
        %dma_start3A_124 = tpu.memref_slice %arg6[%dma_start3A_122, %dma_start3A_123] : memref<100000x128xf32, #tpu.memory_space<hbm>> -> memref<100000x128xf32, #tpu.memory_space<hbm>>
        tpu.enqueue_indirect_dma source(%dma_start3A_124 : memref<100000x128xf32, #tpu.memory_space<hbm>>) target(%arg15 : memref<128x128xf32, #tpu.memory_space<vmem>>) offsets(%dma_start3A_121 : memref<128xi32, #tpu.memory_space<vmem>>) semaphore(%arg18 : memref<!tpu.dma_semaphore, #tpu.memory_space<semaphore_mem>>)
        %dma_start3A_125 = tpu.memref_slice %arg10[%mul3A_116] : memref<512xi32, #tpu.memory_space<vmem>> -> memref<128xi32, #tpu.memory_space<vmem>>
        %dma_start3A_126 = arith.constant 0 : i32
        %dma_start3A_127 = arith.constant 0 : i32
        %dma_start3A_128 = tpu.memref_slice %arg2[%dma_start3A_126, %dma_start3A_127] : memref<100000x128xf32, #tpu.memory_space<hbm>> -> memref<100000x128xf32, #tpu.memory_space<hbm>>
        tpu.enqueue_indirect_dma source(%dma_start3A_128 : memref<100000x128xf32, #tpu.memory_space<hbm>>) target(%arg16 : memref<128x128xf32, #tpu.memory_space<vmem>>) offsets(%dma_start3A_125 : memref<128xi32, #tpu.memory_space<vmem>>) semaphore(%arg18 : memref<!tpu.dma_semaphore, #tpu.memory_space<semaphore_mem>>)
      } else {
      }
    }
    %scan3A_50 = arith.constant 2 : i32
    "tpu.region"() ({
      %run_scoped3A = tpu.sem_alloc : memref<!tpu.dma_semaphore, #tpu.memory_space<semaphore_mem>>
      %dma_start3A_51 = tpu.memref_slice %arg7[%mul3A_2] : memref<16384xf32, #tpu.memory_space<hbm>> -> memref<512xf32, #tpu.memory_space<hbm>>
      %dma_start3A_52 = tpu.memref_slice %arg7[%mul3A_2] : memref<16384xf32, #tpu.memory_space<hbm>> -> memref<512xf32, #tpu.memory_space<hbm>>
      tpu.enqueue_dma source(%arg20 : memref<512xf32, #tpu.memory_space<vmem>>) target(%dma_start3A_52 : memref<512xf32, #tpu.memory_space<hbm>>) target_semaphore(%run_scoped3A : memref<!tpu.dma_semaphore, #tpu.memory_space<semaphore_mem>>)
      %dma_wait3A_53 = tpu.memref_slice %arg7[%mul3A_2] : memref<16384xf32, #tpu.memory_space<hbm>> -> memref<512xf32, #tpu.memory_space<hbm>>
      %dma_wait3A_54 = tpu.memref_slice %arg7[%mul3A_2] : memref<16384xf32, #tpu.memory_space<hbm>> -> memref<512xf32, #tpu.memory_space<hbm>>
      tpu.wait_dma2 semaphore(%run_scoped3A : memref<!tpu.dma_semaphore, #tpu.memory_space<semaphore_mem>>) src(%arg20 : memref<512xf32, #tpu.memory_space<vmem>>) dst(%dma_wait3A_54 : memref<512xf32, #tpu.memory_space<hbm>>)
      tpu.yield
    }) : () -> ()
    return
  }
}

</mosaic_0001>

<sc_bundles>
// kernel: _dist_mult_sc.3.cloned.1.call-start
scs
__scs_entry_jumppad:
0x0: {  	(pc) =	sbr.rel $0x88, $3  }
0x1: {  	(tag) =	ssettag $0x0;
	lr =	simm.s32 $0x1  }
0x2: {  	[smem:$0x3F9C] =	sst lr;
	_ =	strace $0xD0000000  }
0x3: {  	_ = 	snop  }
0x4: {  	_ = 	snop  }
0x5: {  	_ = 	snop  }
0x6: {  	_ = 	snop  }
0x7: {  	_ = 	snop  }
__scs_overlays_trampoline_lowered:
0x8: {  	[smem:$0x3FAB] =	sst s0  }
0x9: {  	[smem:$0x3FAC] =	sst s1  }
0xa: {  	[smem:$0x3FAD] =	sst s2  }
0xb: {  	[smem:$0x3FAE] =	sst s3  }
0xc: {  	[smem:$0x3FAF] =	sst s4  }
0xd: {  	[smem:$0x3FB0] =	sst s5  }
0xe: {  	[smem:$0x3FB1] =	sst s6  }
0xf: {  	[smem:$0x3FB2] =	sst s7  }
0x10: {  	[smem:$0x3FB3] =	sst s8  }
0x11: {  	[smem:$0x3FB4] =	sst s9;
	s0 =	simm.s32 @!p0 $0x0  }
0x12: {  	s1 =	sld [smem:$0x3F9A];
	s0 =	simm.s32 @p0 $0x1  }
0x13: {  	[smem:$0x3FB5] =	sst s0;
	s0 =	simm.s32 @!p1 $0x0  }
0x14: {  	s2 =	sld [smem:$0x3F99];
	s0 =	simm.s32 @p1 $0x1  }
0x15: {  	[smem:$0x3FB6] =	sst s0;
	s0 =	simm.s32 @!p2 $0x0  }
0x16: {  	s3 =	sld [smem:$0x3FDB];
	s0 =	simm.s32 @p2 $0x1  }
0x17: {  	s4 =	simm.s32 $0x1BF5;
	[smem:$0x3FB8] =	sst s0  }
0x18: {  	s0 =	sld [smem:$0x3F9B];
	_ =	swait.ge [sflag:s4], $0x0  }
0x19: {  	s7 =	sld [smem:$0x3F9C]  }
0x1a: {  	s8 =	sadd.s32 $0xFFFFE003, lr  }
0x1b: {  	s9 =	sadd.s32 $0xFFFFFEF7, lr;
	s5 =	simm.s32 $0xFFFFFFFF;
	p2 =	slt.u32 s8, $0xFFFFF086  }
0x1c: {  	p1 =	slt.u32 s9, $0xF7A;
	s5 =	simm.s32 @!p2 $0x0  }
0x1d: {  	s5 =	simm.s32 @p1 $0x1;
	p0 =	seq.s32 s7, s2  }
0x1e: {  	s7 =	smul.u32 @!p0 $0xF7A, s2;
	p2 =	seq.s32 @!p0 s5, $0x0  }
0x1f: {  	s9 =	smul.u32 $0xF7A, s1;
	s8 =	simm.s32 @!p0 $0x1BF5;
	p2 =	por !p2, p0  }
0x20: {  	[sflag:s8] =	ssyncset.s32 @!p0 $0xFFFFF086;
	s6 =	sadd.s32 @!p0 s3, s7;
	s7 =	simm.s32 @!p0 $0x108  }
0x21: {  	s3 =	sadd.s32 s3, s9;
	s6 =	sadd.s32 @!p0 $0x88, s6;
	s7 =	simm.s32 @p2 $0x1082  }
0x22: {  	[simem:s7], [sflag:s8] =	dma.local @!p0 [hbm:s6], $0xF7A  }
0x23: {  	s9 =	sor.u32 $0xD0000000, s2;
	s6 =	simm.s32 $0x108;
	_ =	swait.ge @!p0 [sflag:s8], $0x0  }
0x24: {  	s3 =	sadd.s32 $0x88, s3;
	s6 =	simm.s32 @!p1 $0x1082;
	[sflag:s4] =	ssyncset.s32 $0xFFFFF086  }
0x25: {  	[simem:s6], [sflag:s4] =	dma.local [hbm:s3], $0xF7A  }
0x26: {  	[smem:$0x3F9C] =	sst s1;
	(tag) =	ssettag s2;
	_ =	strace s9  }
0x27: {  	s1 =	sld [smem:$0x3FAC]  }
0x28: {  	s2 =	sld [smem:$0x3FAD]  }
0x29: {  	s4 =	sld [smem:$0x3FAF]  }
0x2a: {  	p0 =	seq.s32 s5, $0x0;
	s5 =	sld [smem:$0x3FB0]  }
0x2b: {  	s6 =	sld [smem:$0x3FB1]  }
0x2c: {  	s7 =	sld [smem:$0x3FB2]  }
0x2d: {  	s3 =	simm.s32 $0x108;
	s8 =	sld [smem:$0x3FB3]  }
0x2e: {  	s3 =	simm.s32 @!p0 $0x1082;
	s9 =	sld [smem:$0x3FB4]  }
0x2f: {  	lr =	sadd.s32 s0, s3;
	s0 =	sld [smem:$0x3FAB]  }
0x30: {  	s3 =	sld [smem:$0x3FAE]  }
0x31: {  	[smem:$0x3FB7] =	sst s10  }
0x32: {  	s10 =	sld [smem:$0x3FB5];
	_ =	sdelay $0x3  }
0x33: {  	p0 =	seq.s32 s10, $0x1;
	s10 =	sld [smem:$0x3FB7];
	_ =	sdelay $0x3  }
0x34: {  	[smem:$0x3FB7] =	sst s10  }
0x35: {  	s10 =	sld [smem:$0x3FB6];
	_ =	sdelay $0x3  }
0x36: {  	p1 =	seq.s32 s10, $0x1;
	s10 =	sld [smem:$0x3FB7];
	_ =	sdelay $0x3  }
0x37: {  	[smem:$0x3FB7] =	sst s10  }
0x38: {  	s10 =	sld [smem:$0x3FB8]  }
0x39: {  	_ = 	snop;
	(pc) =	sbr.ind lr, $3  }
0x3a: {  	_ = 	snop  }
0x3b: {  	_ = 	snop  }
0x3c: {  	p2 =	seq.s32 s10, $0x1;
	s10 =	sld [smem:$0x3FB7]  }
0x3d: {  	_ =	shalt  }
0x3e: {  	_ =	shalt  }
0x3f: {  	_ =	shalt  }
0x40: {  	_ =	shalt  }
0x41: {  	_ =	shalt  }
0x42: {  	_ =	shalt  }
0x43: {  	_ =	shalt  }
0x44: {  	_ =	shalt  }
0x45: {  	_ =	shalt  }
0x46: {  	_ =	shalt  }
0x47: {  	_ =	shalt  }
0x48: {  	_ =	shalt  }
0x49: {  	_ =	shalt  }
0x4a: {  	_ =	shalt  }
0x4b: {  	_ =	shalt  }
0x4c: {  	_ =	shalt  }
0x4d: {  	_ =	shalt  }
0x4e: {  	_ =	shalt  }
0x4f: {  	_ =	shalt  }
0x50: {  	_ =	shalt  }
0x51: {  	_ =	shalt  }
0x52: {  	_ =	shalt  }
0x53: {  	_ =	shalt  }
0x54: {  	_ =	shalt  }
0x55: {  	_ =	shalt  }
0x56: {  	_ =	shalt  }
0x57: {  	_ =	shalt  }
0x58: {  	_ =	shalt  }
0x59: {  	_ =	shalt  }
0x5a: {  	_ =	shalt  }
0x5b: {  	_ =	shalt  }
0x5c: {  	_ =	shalt  }
0x5d: {  	_ =	shalt  }
0x5e: {  	_ =	shalt  }
0x5f: {  	_ =	shalt  }
0x60: {  	_ =	shalt  }
0x61: {  	_ =	shalt  }
0x62: {  	_ =	shalt  }
0x63: {  	_ =	shalt  }
0x64: {  	_ =	shalt  }
0x65: {  	_ =	shalt  }
0x66: {  	_ =	shalt  }
0x67: {  	_ =	shalt  }
0x68: {  	_ =	shalt  }
0x69: {  	_ =	shalt  }
0x6a: {  	_ =	shalt  }
0x6b: {  	_ =	shalt  }
0x6c: {  	_ =	shalt  }
0x6d: {  	_ =	shalt  }
0x6e: {  	_ =	shalt  }
0x6f: {  	_ =	shalt  }
0x70: {  	_ =	shalt  }
0x71: {  	_ =	shalt  }
0x72: {  	_ =	shalt  }
0x73: {  	_ =	shalt  }
0x74: {  	_ =	shalt  }
0x75: {  	_ =	shalt  }
0x76: {  	_ =	shalt  }
0x77: {  	_ =	shalt  }
0x78: {  	_ =	shalt  }
0x79: {  	_ =	shalt  }
0x7a: {  	_ =	shalt  }
0x7b: {  	_ =	shalt  }
0x7c: {  	_ =	shalt  }
0x7d: {  	_ =	shalt  }
0x7e: {  	_ =	shalt  }
0x7f: {  	_ =	shalt  }
0x80: {  	_ =	shalt  }
0x81: {  	_ =	shalt  }
0x82: {  	_ =	shalt  }
0x83: {  	_ =	shalt  }
0x84: {  	_ =	shalt  }
0x85: {  	_ =	shalt  }
0x86: {  	_ =	shalt  }
0x87: {  	_ =	shalt  }
.Lfunc_end0:
.L_simem_size_0:
called_computation_lowered:
.L_overlay_start_0:
0x88: {  	s2 =	sld [smem:$0x3FD9]  }
0x89: {  	s3 =	sld [smem:$0x3FFE];
	_ =	sdelay $0x1  }
0x8a: {  	s1 =	srdreg.scid  }
0x8b: {  	s0 =	sand.u32 $0x1, s1  }
0x8c: {  	s18 =	sshll.u32 s0, $0xA;
	s2 =	sadd.s32 s3, s2  }
0x8d: {  	s2 =	sadd.s32 s2, s18  }
0x8e: {  	[smem:$0x3FC3] =	sst s2  }
0x8f: {  	_ = 	snop  }
0x90: {  	s2 =	sld [smem:$0x3FC9]  }
0x91: {  	s19 =	sld [smem:$0x3FC8]  }
0x92: {  	s4 =	sld [smem:$0x3FC7]  }
0x93: {  	s5 =	sld [smem:$0x3FC6]  }
0x94: {  	s6 =	sld [smem:$0x3FC5]  }
0x95: {  	s7 =	sld [smem:$0x3FD0];
	(tm) =	ssettm $0x1  }
0x96: {  	s8 =	sld [smem:$0x3FFB];
	_ =	sdelay $0x3  }
0x97: {  	_ =	strace s8  }
0x98: {  	s8 =	sld [smem:$0x3FFC];
	_ =	sdelay $0x3  }
0x99: {  	_ =	strace s8  }
0x9a: {  	s8 =	sld [smem:$0x3FFD];
	_ =	sdelay $0x3  }
0x9b: {  	_ =	strace s8  }
0x9c: {  	_ =	strace $0x8FFFFFFF  }
0x9d: {  	s20 =	sld [smem:$0x3FDB];
	_ =	sdelay $0x1  }
0x9e: {  	s9 =	simm.s32 $_scs_section_size  }
0x9f: {  	s10 =	simm.s32 $_size__tile_overlayer_lowered;
	s11 =	simm.s32 $_tile_overlayer_lowered  }
0xa0: {  	s23 =	simm.s32 $0x1BFF;
	s22 =	sshll.u32 s11, $0x1;
	s8 =	sadd.s32 s9, s20  }
0xa1: {  	s12 =	simm.s32 $0x0;
	s21 =	sshll.u32 s10, $0x1;
	s10 =	sadd.s32 s22, s8  }
0xa2: {  	[timem:s12], [sflag:s23] =	dma.local [hbm:s10], s21  }
0xa3: {  	_ =	swait.ge [sflag:s23], s21  }
0xa4: {  	s9 =	ssub.s32 $0x0, s21;
	[sflag:s23] =	ssyncset.done $0x0  }
0xa5: {  	[sflag:s23] =	ssyncadd.s32 s9;
	_ =	sdelay $0x1  }
0xa6: {  	s24 =	simm.s32 $0x1B8B  }
0xa7: {  	_ =	swait.ge [sflag:s24], $0x1  }
0xa8: {  	[sflag:s24] =	ssyncset.done $0x0  }
0xa9: {  	s25 =	simm.s32 $0x1B8E;
	[sflag:s24] =	ssyncadd.s32 $0xFFFFFFFF  }
0xaa: {  	s26 =	simm.s32 $execute0_lowered;
	[smem:$0x3FD2] =	sst s25  }
0xab: {  	s9 =	sshll.u32 s26, $0x1;
	_ =	strace $0x80000046;
	[dreg:$0x1] =	wrdreg $0xFFFFFFFF  }
0xac: {  	s28 =	simm.s32 $_size_execute0_lowered;
	s8 =	sadd.s32 s8, s9;
	[dreg:$0x0] =	wrdreg $0x0  }
0xad: {  	s9 =	sshll.u32 s28, $0x1;
	[dreg:$0x2] =	wrdreg s8  }
0xae: {  	[dreg:$0x3] =	wrdreg s9  }
0xaf: {  	[dreg:$0x4] =	wrdreg $0xC0  }
0xb0: {  	_ =	task [dreg:s12], $0x5FFFF  }
0xb1: {  	[dreg:$0x1] =	wrdreg $0xFFFFFFFF  }
0xb2: {  	[dreg:$0x0] =	wrdreg $0x60  }
0xb3: {  	[dreg:$0x2] =	wrdreg s2  }
0xb4: {  	[dreg:$0x3] =	wrdreg s19  }
0xb5: {  	[dreg:$0x4] =	wrdreg s4  }
0xb6: {  	[dreg:$0x5] =	wrdreg s5  }
0xb7: {  	[dreg:$0x6] =	wrdreg s6  }
0xb8: {  	[dreg:$0x7] =	wrdreg s7  }
0xb9: {  	[dreg:$0x8] =	wrdreg $0x9  }
0xba: {  	_ =	task.clear_ibuf [dreg:s12], $0x9FFFF;
	_ =	strace $0x90000046  }
0xbb: {  	s29 =	simm.s32 $0x9;
	_ =	strace $0x80000048  }
0xbc: {  	_ =	swait.ge [sflag:s29], $0x1  }
0xbd: {  	[sflag:s29] =	ssyncadd.s32 $0xFFFFFFFF  }
0xbe: {  	_ =	strace $0x90000048  }
0xbf: {  	_ =	sfence  }
0xc0: {  	s30 =	sld [smem:$0x0];
	_ =	sdelay $0x2  }
0xc1: {  	s31 =	sshll.u32 s1, $0xD;
	s1 =	sshrl.u32 s1, $0x2  }
0xc2: {  	s3 =	sand.u32 $0x4000, s31;
	s1 =	sadd.s32 s1, s30  }
0xc3: {  	s0 =	sor.u32 s3, s0;
	s1 =	sshll.u32 s1, $0x11  }
0xc4: {  	s0 =	sor.u32 s1, s0  }
0xc5: {  	s0 =	sadd.s32 $0x8F2B, s0  }
0xc6: {  	[sflag:s0] =	ssyncadd.remote.s32 $0x1  }
0xc7: {  	_ =	sfence.sel $0xFFFF  }
0xc8: {  	[dreg:$0x0] =	wrdreg $0xFFFFFFFF;
	(pc) =	sbr.abs _section_cstart, $3  }
0xc9: {  	[dreg:$0x1] =	wrdreg $0xFFFFFFFF  }
0xca: {  	_ =	task.clear_ibuf [dreg:s12], $0x2FFFF;
	_ =	strace $0x9FFFFFFF  }
0xcb: {  	(tm) =	ssettm $0x7FFFFFFF  }
tec
execute0_lowered:
.L_overlay_start_1:
0x0: {  	(tag) =	ssettag $0x1  }
0x1: {  	s1 =	rddreg [dreg:$0x0]  }
0x2: {  	s0 =	rddreg [dreg:$0x1]  }
0x3: {  	s3 =	rddreg [dreg:$0x2];
	v0 =	vlaneseq.u32  }
0x4: {  	s7 =	rddreg [dreg:$0x3];
	v0 =	vmul.u32 $0x10, v0  }
0x5: {  	s2 =	rddreg [dreg:$0x4];
	s4 =	simm.s32 $0x0  }
0x6: {  	[smem:$0x7FF] =	sst s4;
	v1 =	vor.u32 $0x1, v0  }
0x7: {  	s8 =	rddreg [dreg:$0x5];
	_ =	strace $0x80000047;
	v52 =	vor.u32 $0x2, v0;
	[tilespmem:$0x1FF30] =	vst v1  }
0x8: {  	v53 =	vor.u32 $0x3, v0;
	[tilespmem:$0x1FF40] =	vst v52  }
0x9: {  	v54 =	vor.u32 $0x4, v0;
	[tilespmem:$0x1FF50] =	vst v53  }
0xa: {  	v55 =	vor.u32 $0x5, v0;
	[tilespmem:$0x1FF60] =	vst v54  }
0xb: {  	s5 =	srdreg.scid;
	s9 =	stileid.u32;
	s11 =	simm.s32 $0x400;
	v56 =	vor.u32 $0x6, v0;
	[tilespmem:$0x1FF70] =	vst v55  }
0xc: {  	s12 =	simm.s32 $0x1;
	s15 =	simm.s32 $0x8600;
	s16 =	simm.s32 $0x80;
	v57 =	vor.u32 $0x7, v0;
	[tilespmem:$0x1FF80] =	vst v56  }
0xd: {  	s17 =	simm.s32 $0xC600;
	s18 =	simm.s32 $0x10600;
	s19 =	simm.s32 $0x14600;
	v58 =	vor.u32 $0x8, v0;
	[tilespmem:$0x1FF90] =	vst v57  }
0xe: {  	s20 =	simm.s32 $0x18600;
	s21 =	simm.s32 $0x2;
	s5 =	sand.u32 $0x1, s5;
	v59 =	vor.u32 $0x9, v0;
	[tilespmem:$0x1FFA0] =	vst v58  }
0xf: {  	s22 =	simm.s32 $0x18700;
	s23 =	simm.s32 $0x3;
	s6 =	ssub.s32 $0x2, s5;
	v60 =	vor.u32 $0xA, v0;
	[tilespmem:$0x1FFB0] =	vst v59  }
0x10: {  	s9 =	sshll.u32 s9, $0x7;
	s5 =	sshll.u32 s5, $0x6;
	s10 =	sshrl.u32 s6, $0x1;
	v61 =	vor.u32 $0xB, v0;
	[tilespmem:$0x1FFC0] =	vst v60  }
0x11: {  	s24 =	simm.s32 $0x0;
	s9 =	sor.u32 s5, s9;
	v62 =	vor.u32 $0xC, v0;
	s10 =	ssub.s32 s6, s10;
	[tilespmem:$0x1FFD0] =	vst v61  }
0x12: {  	v63 =	vor.u32 $0xD, v0;
	s5 =	sadd.s32 s0, s9;
	s6 =	sadd.s32 s3, s9;
	s7 =	sadd.s32 s7, s9;
	[tilespmem:$0x1FFE0] =	vst v62  }
0x13: {  	v14 =	vor.u32 $0xE, v0;
	v13 =	vmov v0;
	v15 =	vor.u32 $0xF, v0;
	s8 =	sadd.s32 s8, s9;
	[tilespmem:$0x1FFF0] =	vst v63;
	s9 =	smax.u32 s10, $0x1;
	s10 =	simm.s32 $0x200  }
.LBB2_1:
0x14: {  	[tilespmem:s4], [sflag:$0x1] =	stream.linear.gather [hbm4b:s5+s4], $0x200, $0x38;
	[tilespmem:$0x18900] =	vst v63  }
0x15: {  	_ = 	snop  }
0x16: {  	[tilespmem:s10], [sflag:$0x1] =	stream.linear.gather [hbm4b:s6+s4], $0x200, $0x38;
	[tilespmem:$0x18900] =	vst v63  }
0x17: {  	_ = 	snop  }
0x18: {  	[tilespmem:s11], [sflag:$0x1] =	stream.linear.gather [hbm4b:s7+s4], $0x200, $0x38;
	[tilespmem:$0x18900] =	vst v63  }
0x19: {  	_ =	swait.ge [sflag:s12], $0x200  }
0x1a: {  	[sflag:s12] =	ssyncset.done $0x0  }
0x1b: {  	[sflag:s12] =	ssyncadd.s32 $0xFFFFFE00  }
0x1c: {  	_ =	swait.ge [sflag:s12], $0x200  }
0x1d: {  	[sflag:s12] =	ssyncset.done $0x0  }
0x1e: {  	[sflag:s12] =	ssyncadd.s32 $0xFFFFFE00  }
0x1f: {  	_ =	swait.ge [sflag:s12], $0x200  }
0x20: {  	[sflag:s12] =	ssyncset.done $0x0  }
0x21: {  	s0 =	simm.s32 $0x600;
	[sflag:s12] =	ssyncadd.s32 $0xFFFFFE00  }
0x22: {  	[tilespmem:s0], [sflag:$0x1] =	stream.indirect.gather [hbm4b:s1+s16], $0x80, s4, s16, $0xb8;
	[tilespmem:$0x18900] =	vst v63  }
0x23: {  	s31 =	simm.s32 $0x4600;
	p1 =	por $0x1, $0x1;
	s3 =	simm.s32 $0x480  }
0x24: {  	[tilespmem:s31], [sflag:$0x1] =	stream.indirect.gather [hbm4b:s2+s16], $0x80, s10, s16, $0xb8;
	[tilespmem:$0x18900] =	vst v63  }
0x25: {  	s13 =	simm.s32 $0x280;
	s14 =	simm.s32 $0x80;
	s0 =	simm.s32 $0x0  }
0x26: {  	[tilespmem:s15], [sflag:$0x1] =	stream.indirect.gather [hbm4b:s1+s16], $0x80, s11, s16, $0xb8;
	[tilespmem:$0x18900] =	vst v63  }
.LBB2_2:
0x27: {  	[tilespmem:s17], [sflag:$0x2] =	stream.indirect.gather [hbm4b:s1+s16], $0x80, s14, s16, $0xb8;
	[tilespmem:$0x18900] =	vst v63  }
0x28: {  	_ = 	snop  }
0x29: {  	[tilespmem:s18], [sflag:$0x2] =	stream.indirect.gather [hbm4b:s2+s16], $0x80, s13, s16, $0xb8;
	[tilespmem:$0x18900] =	vst v63  }
0x2a: {  	_ = 	snop  }
0x2b: {  	[tilespmem:s19], [sflag:$0x2] =	stream.indirect.gather [hbm4b:s1+s16], $0x80, s3, s16, $0xb8;
	[tilespmem:$0x18900] =	vst v63  }
0x2c: {  	_ =	swait.ge [sflag:s12], $0x4000  }
0x2d: {  	[sflag:s12] =	ssyncset.done $0x0  }
0x2e: {  	[sflag:s12] =	ssyncadd.s32 $0xFFFFC000  }
0x2f: {  	_ =	swait.ge [sflag:s12], $0x4000  }
0x30: {  	[sflag:s12] =	ssyncset.done $0x0  }
0x31: {  	s25 =	sshra.s32 s0, $0x2;
	[sflag:s12] =	ssyncadd.s32 $0xFFFFC000  }
0x32: {  	s26 =	simm.s32 $0x0;
	p0 =	por p1, p1;
	_ =	swait.ge [sflag:s12], $0x4000  }
0x33: {  	s14 =	simm.s32 $0x4700;
	s0 =	sadd.s32 $0x18700, s25;
	[sflag:s12] =	ssyncset.done $0x0  }
0x34: {  	s30 =	simm.s32 $0x8700;
	s13 =	simm.s32 $0x700;
	v16 =	vmov s0;
	[sflag:s12] =	ssyncadd.s32 $0xFFFFC000  }
.LBB2_3:
0x35: {  	v17 =	vld [tilespmem:s30+$0xE0]  }
0x36: {  	v18 =	vld [tilespmem:s30+$0xD0]  }
0x37: {  	v19 =	vld [tilespmem:s30+$0xC0]  }
0x38: {  	v20 =	vld [tilespmem:s30+$0xB0]  }
0x39: {  	v21 =	vld [tilespmem:s30+$0xA0]  }
0x3a: {  	v22 =	vld [tilespmem:s30+$0x90]  }
0x3b: {  	v23 =	vld [tilespmem:s30+$0x80]  }
0x3c: {  	v24 =	vld [tilespmem:s13+$0x80]  }
0x3d: {  	v25 =	vld [tilespmem:s14+$0x80]  }
0x3e: {  	v26 =	vld [tilespmem:s13+$0x90]  }
0x3f: {  	v27 =	vld [tilespmem:s14+$0x90]  }
0x40: {  	v28 =	vld [tilespmem:s13+$0xA0]  }
0x41: {  	v29 =	vld [tilespmem:s14+$0xA0]  }
0x42: {  	v30 =	vld [tilespmem:s13+$0xB0]  }
0x43: {  	v31 =	vld [tilespmem:s14+$0xB0]  }
0x44: {  	v32 =	vld [tilespmem:s13+$0xC0]  }
0x45: {  	v33 =	vld [tilespmem:s14+$0xC0]  }
0x46: {  	v34 =	vld [tilespmem:s13+$0xD0]  }
0x47: {  	v35 =	vld [tilespmem:s14+$0xD0]  }
0x48: {  	v36 =	vld [tilespmem:s13+$0xE0]  }
0x49: {  	v37 =	vld [tilespmem:s14+$0xE0]  }
0x4a: {  	v38 =	vld [tilespmem:s13+$0xF0]  }
0x4b: {  	v39 =	vld [tilespmem:s14+$0xF0]  }
0x4c: {  	v40 =	vld [tilespmem:s14+$0xFFFFFF00]  }
0x4d: {  	v41 =	vld [tilespmem:s30+$0xF0]  }
0x4e: {  	v42 =	vld [tilespmem:s13+$0xFFFFFF80]  }
0x4f: {  	v43 =	vld [tilespmem:s14+$0xFFFFFF80]  }
0x50: {  	v44 =	vld [tilespmem:s13+$0x0]  }
0x51: {  	v45 =	vld [tilespmem:s14+$0x0]  }
0x52: {  	v46 =	vld [tilespmem:s13+$0xFFFFFF00]  }
0x53: {  	v47 =	vld [tilespmem:s30+$0xFFFFFF00]  }
0x54: {  	v48 =	vld [tilespmem:s13+$0xFFFFFF10]  }
0x55: {  	v49 =	vld [tilespmem:s14+$0xFFFFFF10]  }
0x56: {  	v50 =	vld [tilespmem:s30+$0xFFFFFF80]  }
0x57: {  	v51 =	vld [tilespmem:s13+$0xFFFFFF90]  }
0x58: {  	v52 =	vld [tilespmem:s14+$0xFFFFFF90]  }
0x59: {  	v53 =	vld [tilespmem:s30+$0x0]  }
0x5a: {  	v54 =	vld [tilespmem:s13+$0x10]  }
0x5b: {  	v55 =	vld [tilespmem:s14+$0x10]  }
0x5c: {  	v56 =	vld [tilespmem:s30+$0xFFFFFF10]  }
0x5d: {  	v57 =	vld [tilespmem:s13+$0xFFFFFF20]  }
0x5e: {  	v58 =	vld [tilespmem:s14+$0xFFFFFF20]  }
0x5f: {  	v59 =	vld [tilespmem:s30+$0xFFFFFF90]  }
0x60: {  	v60 =	vld [tilespmem:s13+$0xFFFFFFA0]  }
0x61: {  	v61 =	vld [tilespmem:s14+$0xFFFFFFA0]  }
0x62: {  	v62 =	vld [tilespmem:s30+$0x10]  }
0x63: {  	v63 =	vld [tilespmem:s13+$0x20]  }
0x64: {  	v0 =	vld [tilespmem:s14+$0x20]  }
0x65: {  	v1 =	vld [tilespmem:s30+$0xFFFFFF20]  }
0x66: {  	v2 =	vld [tilespmem:s13+$0xFFFFFF30]  }
0x67: {  	v3 =	vld [tilespmem:s14+$0xFFFFFF30]  }
0x68: {  	v4 =	vld [tilespmem:s30+$0xFFFFFFA0]  }
0x69: {  	v5 =	vld [tilespmem:s13+$0xFFFFFFB0]  }
0x6a: {  	v6 =	vld [tilespmem:s14+$0xFFFFFFB0]  }
0x6b: {  	v7 =	vld [tilespmem:s30+$0x20]  }
0x6c: {  	v8 =	vld [tilespmem:s13+$0x30]  }
0x6d: {  	v9 =	vld [tilespmem:s14+$0x30]  }
0x6e: {  	v10 =	vld [tilespmem:s30+$0xFFFFFF30]  }
0x6f: {  	v11 =	vld [tilespmem:s13+$0xFFFFFF40]  }
0x70: {  	v12 =	vld [tilespmem:s30+$0xFFFFFFB0]  }
0x71: {  	v24 =	vmul.f32 v25, v24;
	v25 =	vld [tilespmem:s14+$0xFFFFFF40]  }
0x72: {  	v60 =	vmul.f32 v61, v60;
	v61 =	vld [tilespmem:s13+$0xFFFFFFE0]  }
0x73: {  	v37 =	vmul.f32 v37, v36;
	v0 =	vmul.f32 v0, v63;
	v63 =	vld [tilespmem:s14+$0xFFFFFFE0]  }
0x74: {  	v23 =	vmul.f32 v23, v24;
	v24 =	vmul.f32 v27, v26;
	v26 =	vld [tilespmem:s13+$0xFFFFFFC0]  }
0x75: {  	v5 =	vmul.f32 v6, v5;
	v27 =	vld [tilespmem:s14+$0xFFFFFFC0]  }
0x76: {  	v17 =	vmul.f32 v17, v37;
	v37 =	vld [tilespmem:s14+$0x50]  }
0x77: {  	v5 =	vmul.f32 v12, v5;
	v12 =	vld [tilespmem:s13+$0xFFFFFF70]  }
0x78: {  	v23 =	vadd.f32 $0.0e+00, v23;
	v22 =	vmul.f32 v22, v24;
	v24 =	vmul.f32 v29, v28;
	v28 =	vld [tilespmem:s30+$0x30]  }
0x79: {  	v49 =	vmul.f32 v49, v48;
	v29 =	vld [tilespmem:s13+$0x40]  }
0x7a: {  	v22 =	vadd.f32 v22, v23;
	v21 =	vmul.f32 v21, v24;
	v23 =	vmul.f32 v31, v30;
	v24 =	vld [tilespmem:s14+$0x40]  }
0x7b: {  	v58 =	vmul.f32 v58, v57;
	v2 =	vmul.f32 v3, v2;
	v30 =	vld [tilespmem:s30+$0xFFFFFF40]  }
0x7c: {  	v31 =	vld [tilespmem:s14+$0xFFFFFF50];
	v21 =	vadd.f32 v21, v22;
	v20 =	vmul.f32 v20, v23;
	v22 =	vmul.f32 v33, v32  }
0x7d: {  	v36 =	vmul.f32 v56, v49;
	v48 =	vmul.f32 v27, v26;
	v26 =	vld [tilespmem:s14+$0xFFFFFFF0]  }
0x7e: {  	v23 =	vld [tilespmem:s13+$0xFFFFFF50];
	v20 =	vadd.f32 v20, v21;
	v19 =	vmul.f32 v19, v22;
	v21 =	vmul.f32 v35, v34  }
0x7f: {  	v56 =	vmul.f32 v55, v54;
	v1 =	vmul.f32 v1, v58;
	v33 =	vld [tilespmem:s13+$0xFFFFFFD0]  }
0x80: {  	v4 =	vmul.f32 v4, v60;
	v32 =	vld [tilespmem:s30+$0x40];
	v19 =	vadd.f32 v19, v20;
	v18 =	vmul.f32 v18, v21  }
0x81: {  	v0 =	vmul.f32 v7, v0;
	v2 =	vmul.f32 v10, v2;
	v22 =	vld [tilespmem:s30+$0xFFFFFFC0]  }
0x82: {  	v35 =	vld [tilespmem:s13+$0x50];
	v21 =	vmul.f32 v40, v46;
	v18 =	vadd.f32 v18, v19;
	v19 =	vmul.f32 v39, v38  }
0x83: {  	v60 =	vmul.f32 v63, v61;
	v20 =	vld [tilespmem:s14+$0xFFFFFFD0];
	v46 =	vmul.f32 v43, v42  }
0x84: {  	v42 =	vld [tilespmem:s30+$0xFFFFFFD0];
	v21 =	vmul.f32 v47, v21;
	v17 =	vadd.f32 v17, v18;
	v18 =	vmul.f32 v41, v19  }
0x85: {  	v43 =	vld [tilespmem:s14+$0x60];
	v34 =	vmul.f32 v50, v46;
	v46 =	vmul.f32 v25, v11  }
0x86: {  	v38 =	vld [tilespmem:s30+$0xFFFFFF50];
	v19 =	vmul.f32 v45, v44;
	v40 =	vadd.f32 v18, v17;
	v17 =	vmul.f32 v52, v51  }
0x87: {  	v39 =	vld [tilespmem:s13+$0xFFFFFF60];
	v50 =	vmul.f32 v24, v29;
	v21 =	vadd.f32 $0.0e+00, v21;
	v41 =	vmul.f32 v62, v56  }
0x88: {  	v47 =	vld [tilespmem:s30+$0xFFFFFF60];
	v34 =	vadd.f32 $0.0e+00, v34;
	v18 =	vmul.f32 v53, v19;
	v17 =	vmul.f32 v59, v17  }
0x89: {  	v24 =	vld [tilespmem:s14+$0xFFFFFF70];
	v55 =	vmul.f32 v32, v50;
	v56 =	vmul.f32 v37, v35;
	v21 =	vadd.f32 v36, v21  }
0x8a: {  	v54 =	vmul.f32 v20, v33;
	v19 =	vld [tilespmem:s14+$0xFFFFFF60];
	v18 =	vadd.f32 $0.0e+00, v18;
	v17 =	vadd.f32 v17, v34  }
0x8b: {  	v36 =	vld [tilespmem:s13+$0x60];
	v51 =	vmul.f32 v30, v46;
	v52 =	vmul.f32 v31, v23;
	v1 =	vadd.f32 v1, v21  }
0x8c: {  	v34 =	vld [tilespmem:s30+$0x50];
	v18 =	vadd.f32 v41, v18;
	v41 =	vmul.f32 v9, v8;
	v4 =	vadd.f32 v4, v17  }
0x8d: {  	v53 =	vmul.f32 v22, v48;
	v57 =	vmul.f32 v38, v52;
	v1 =	vadd.f32 v2, v1;
	v17 =	vld [tilespmem:s30+$0xFFFFFFE0]  }
0x8e: {  	v25 =	vld [tilespmem:s13+$0xFFFFFFF0];
	v0 =	vadd.f32 v0, v18;
	v49 =	vmul.f32 v28, v41;
	v4 =	vadd.f32 v5, v4  }
0x8f: {  	v27 =	vld [tilespmem:s30+$0x60];
	v59 =	vmul.f32 v42, v54;
	v58 =	vmul.f32 v19, v39;
	v1 =	vadd.f32 v51, v1  }
0x90: {  	v21 =	vld [tilespmem:s14+$0x70];
	v62 =	vmul.f32 v43, v36;
	v0 =	vadd.f32 v49, v0;
	v2 =	vadd.f32 v53, v4  }
0x91: {  	v19 =	vld [tilespmem:s13+$0x70];
	v61 =	vmul.f32 v47, v58;
	v1 =	vadd.f32 v57, v1;
	v3 =	vmul.f32 v34, v56  }
0x92: {  	v23 =	vld [tilespmem:s30+$0xFFFFFF70];
	v0 =	vadd.f32 v55, v0;
	v63 =	vmul.f32 v17, v60;
	v2 =	vadd.f32 v59, v2  }
0x93: {  	s31 =	simm.s32 $0x18620;
	s0 =	simm.s32 $0x0;
	v22 =	vmul.f32 v24, v12;
	v24 =	vld [tilespmem:s30+$0xFFFFFFF0];
	v26 =	vmul.f32 v26, v25;
	v17 =	vadd.f32 v61, v1  }
0x94: {  	s3 =	sadd.s32 $0x200, s30;
	s28 =	smov.u32 s13;
	s29 =	smov.u32 s14;
	v25 =	vld [tilespmem:s30+$0x70];
	[tilespmem:s31+$0x10] =	vst v40;
	v27 =	vmul.f32 v27, v62;
	v18 =	vadd.f32 v3, v0;
	v20 =	vadd.f32 v63, v2  }
.LBB2_4:
0x95: {  	v0 =	vld [tilespmem:s3+$0xE0]  }
0x96: {  	v1 =	vld [tilespmem:s3+$0xD0];
	v2 =	vadd.f32 v27, v18;
	v3 =	vmul.f32 v21, v19  }
0x97: {  	v4 =	vld [tilespmem:s3+$0xC0];
	v5 =	vmul.f32 v23, v22  }
0x98: {  	v6 =	vld [tilespmem:s3+$0xB0];
	v7 =	vmul.f32 v24, v26  }
0x99: {  	v8 =	vld [tilespmem:s3+$0xA0];
	v5 =	vadd.f32 v5, v17;
	v3 =	vmul.f32 v25, v3  }
0x9a: {  	v9 =	vld [tilespmem:s3+$0x90];
	v7 =	vadd.f32 v7, v20  }
0x9b: {  	s28 =	sadd.s32 $0x200, s28;
	v10 =	vld [tilespmem:s3+$0x80];
	[tilespmem:s31+$0xFFFFFFE0] =	vst v5;
	v2 =	vadd.f32 v3, v2  }
0x9c: {  	s29 =	sadd.s32 $0x200, s29;
	v3 =	vld [tilespmem:s28+$0x80];
	[tilespmem:s31+$0xFFFFFFF0] =	vst v7  }
0x9d: {  	s0 =	sadd.s32 $0x4, s0;
	v5 =	vld [tilespmem:s29+$0x80];
	[tilespmem:s31+$0x0] =	vst v2  }
0x9e: {  	p1 =	slt.u32 s0, $0xC;
	v2 =	vld [tilespmem:s28+$0x90]  }
0x9f: {  	v7 =	vld [tilespmem:s29+$0x90]  }
0xa0: {  	v11 =	vld [tilespmem:s28+$0xA0]  }
0xa1: {  	v12 =	vld [tilespmem:s29+$0xA0]  }
0xa2: {  	v3 =	vmul.f32 v5, v3;
	v5 =	vld [tilespmem:s28+$0xB0]  }
0xa3: {  	v17 =	vld [tilespmem:s29+$0xB0]  }
0xa4: {  	v3 =	vmul.f32 v10, v3;
	v2 =	vmul.f32 v7, v2;
	v7 =	vld [tilespmem:s28+$0xC0]  }
0xa5: {  	v10 =	vld [tilespmem:s29+$0xC0]  }
0xa6: {  	v3 =	vadd.f32 $0.0e+00, v3;
	v2 =	vmul.f32 v9, v2;
	v9 =	vmul.f32 v12, v11;
	v11 =	vld [tilespmem:s28+$0xD0]  }
0xa7: {  	v12 =	vld [tilespmem:s29+$0xD0]  }
0xa8: {  	v2 =	vadd.f32 v2, v3;
	v3 =	vmul.f32 v8, v9;
	v5 =	vmul.f32 v17, v5;
	v8 =	vld [tilespmem:s28+$0xE0]  }
0xa9: {  	v9 =	vld [tilespmem:s29+$0xE0]  }
0xaa: {  	v2 =	vadd.f32 v3, v2;
	v3 =	vmul.f32 v6, v5;
	v5 =	vmul.f32 v10, v7;
	v6 =	vld [tilespmem:s28+$0xF0]  }
0xab: {  	v7 =	vld [tilespmem:s29+$0xF0]  }
0xac: {  	v10 =	vld [tilespmem:s29+$0xFFFFFF00];
	v2 =	vadd.f32 v3, v2;
	v3 =	vmul.f32 v4, v5;
	v4 =	vmul.f32 v12, v11  }
0xad: {  	v5 =	vld [tilespmem:s3+$0xF0]  }
0xae: {  	v11 =	vld [tilespmem:s28+$0xFFFFFF80];
	v2 =	vadd.f32 v3, v2;
	v1 =	vmul.f32 v1, v4;
	v3 =	vmul.f32 v9, v8  }
0xaf: {  	v4 =	vld [tilespmem:s29+$0xFFFFFF80]  }
0xb0: {  	v8 =	vld [tilespmem:s28+$0x0];
	v1 =	vadd.f32 v1, v2;
	v0 =	vmul.f32 v0, v3;
	v2 =	vmul.f32 v7, v6  }
0xb1: {  	v3 =	vld [tilespmem:s29+$0x0]  }
0xb2: {  	v6 =	vld [tilespmem:s28+$0xFFFFFF00];
	v0 =	vadd.f32 v0, v1;
	v1 =	vmul.f32 v5, v2  }
0xb3: {  	v2 =	vld [tilespmem:s3+$0xFFFFFF00]  }
0xb4: {  	v5 =	vld [tilespmem:s28+$0xFFFFFF10];
	v4 =	vmul.f32 v4, v11;
	v0 =	vadd.f32 v1, v0  }
0xb5: {  	s31 =	sadd.s32 $0x40, s31;
	v1 =	vld [tilespmem:s29+$0xFFFFFF10]  }
0xb6: {  	v7 =	vld [tilespmem:s3+$0xFFFFFF80];
	v3 =	vmul.f32 v3, v8;
	[tilespmem:s31+$0x10] =	vst v0  }
0xb7: {  	v0 =	vmul.f32 v10, v6;
	v6 =	vld [tilespmem:s28+$0xFFFFFF90]  }
0xb8: {  	v8 =	vld [tilespmem:s29+$0xFFFFFF90]  }
0xb9: {  	v0 =	vmul.f32 v2, v0;
	v2 =	vld [tilespmem:s3+$0x0]  }
0xba: {  	v1 =	vmul.f32 v1, v5;
	v5 =	vld [tilespmem:s28+$0x10]  }
0xbb: {  	v0 =	vadd.f32 $0.0e+00, v0;
	v4 =	vmul.f32 v7, v4;
	v7 =	vld [tilespmem:s29+$0x10]  }
0xbc: {  	v9 =	vld [tilespmem:s3+$0xFFFFFF10]  }
0xbd: {  	v10 =	vld [tilespmem:s28+$0xFFFFFF20];
	v4 =	vadd.f32 $0.0e+00, v4;
	v6 =	vmul.f32 v8, v6  }
0xbe: {  	v8 =	vld [tilespmem:s29+$0xFFFFFF20];
	v2 =	vmul.f32 v2, v3  }
0xbf: {  	v3 =	vld [tilespmem:s3+$0xFFFFFF90]  }
0xc0: {  	v11 =	vld [tilespmem:s28+$0xFFFFFFA0];
	v2 =	vadd.f32 $0.0e+00, v2;
	v5 =	vmul.f32 v7, v5  }
0xc1: {  	v1 =	vmul.f32 v9, v1;
	v7 =	vld [tilespmem:s29+$0xFFFFFFA0]  }
0xc2: {  	v9 =	vld [tilespmem:s3+$0x10]  }
0xc3: {  	v0 =	vadd.f32 v1, v0;
	v1 =	vmul.f32 v8, v10;
	v8 =	vld [tilespmem:s28+$0x20]  }
0xc4: {  	v3 =	vmul.f32 v3, v6;
	v6 =	vld [tilespmem:s29+$0x20]  }
0xc5: {  	v10 =	vld [tilespmem:s3+$0xFFFFFF20]  }
0xc6: {  	v12 =	vld [tilespmem:s28+$0xFFFFFF30];
	v3 =	vadd.f32 v3, v4;
	v4 =	vmul.f32 v7, v11  }
0xc7: {  	v7 =	vld [tilespmem:s29+$0xFFFFFF30];
	v5 =	vmul.f32 v9, v5  }
0xc8: {  	v9 =	vld [tilespmem:s3+$0xFFFFFFA0]  }
0xc9: {  	v11 =	vld [tilespmem:s28+$0xFFFFFFB0];
	v2 =	vadd.f32 v5, v2;
	v5 =	vmul.f32 v6, v8  }
0xca: {  	v1 =	vmul.f32 v10, v1;
	v6 =	vld [tilespmem:s29+$0xFFFFFFB0]  }
0xcb: {  	v8 =	vld [tilespmem:s3+$0x20]  }
0xcc: {  	v0 =	vadd.f32 v1, v0;
	v1 =	vmul.f32 v7, v12;
	v7 =	vld [tilespmem:s28+$0x30]  }
0xcd: {  	v4 =	vmul.f32 v9, v4;
	v9 =	vld [tilespmem:s29+$0x30]  }
0xce: {  	v10 =	vld [tilespmem:s3+$0xFFFFFF30]  }
0xcf: {  	v12 =	vld [tilespmem:s28+$0xFFFFFF40];
	v3 =	vadd.f32 v4, v3;
	v4 =	vmul.f32 v6, v11  }
0xd0: {  	v6 =	vld [tilespmem:s29+$0xFFFFFF40];
	v5 =	vmul.f32 v8, v5  }
0xd1: {  	v8 =	vld [tilespmem:s3+$0xFFFFFFB0]  }
0xd2: {  	v11 =	vld [tilespmem:s28+$0xFFFFFFC0];
	v2 =	vadd.f32 v5, v2;
	v5 =	vmul.f32 v9, v7  }
0xd3: {  	v1 =	vmul.f32 v10, v1;
	v7 =	vld [tilespmem:s29+$0xFFFFFFC0]  }
0xd4: {  	v9 =	vld [tilespmem:s3+$0x30]  }
0xd5: {  	v0 =	vadd.f32 v1, v0;
	v1 =	vmul.f32 v6, v12;
	v6 =	vld [tilespmem:s28+$0x40]  }
0xd6: {  	v4 =	vmul.f32 v8, v4;
	v8 =	vld [tilespmem:s29+$0x40]  }
0xd7: {  	v10 =	vld [tilespmem:s3+$0xFFFFFF40]  }
0xd8: {  	v12 =	vld [tilespmem:s28+$0xFFFFFF50];
	v3 =	vadd.f32 v4, v3;
	v4 =	vmul.f32 v7, v11  }
0xd9: {  	v7 =	vld [tilespmem:s29+$0xFFFFFF50];
	v5 =	vmul.f32 v9, v5  }
0xda: {  	v9 =	vld [tilespmem:s3+$0xFFFFFFC0]  }
0xdb: {  	v11 =	vld [tilespmem:s28+$0xFFFFFFD0];
	v2 =	vadd.f32 v5, v2;
	v5 =	vmul.f32 v8, v6  }
0xdc: {  	v1 =	vmul.f32 v10, v1;
	v6 =	vld [tilespmem:s29+$0xFFFFFFD0]  }
0xdd: {  	v8 =	vld [tilespmem:s3+$0x40]  }
0xde: {  	v0 =	vadd.f32 v1, v0;
	v1 =	vmul.f32 v7, v12;
	v7 =	vld [tilespmem:s28+$0x50]  }
0xdf: {  	v4 =	vmul.f32 v9, v4;
	v9 =	vld [tilespmem:s29+$0x50]  }
0xe0: {  	v10 =	vld [tilespmem:s3+$0xFFFFFF50]  }
0xe1: {  	v12 =	vld [tilespmem:s28+$0xFFFFFF60];
	v3 =	vadd.f32 v4, v3;
	v4 =	vmul.f32 v6, v11  }
0xe2: {  	v6 =	vld [tilespmem:s29+$0xFFFFFF60];
	v5 =	vmul.f32 v8, v5  }
0xe3: {  	v8 =	vld [tilespmem:s3+$0xFFFFFFD0]  }
0xe4: {  	v11 =	vld [tilespmem:s28+$0xFFFFFFE0];
	v2 =	vadd.f32 v5, v2;
	v5 =	vmul.f32 v9, v7  }
0xe5: {  	v1 =	vmul.f32 v10, v1;
	v7 =	vld [tilespmem:s29+$0xFFFFFFE0]  }
0xe6: {  	v9 =	vld [tilespmem:s3+$0x50]  }
0xe7: {  	v0 =	vadd.f32 v1, v0;
	v1 =	vmul.f32 v6, v12;
	v6 =	vld [tilespmem:s28+$0x60]  }
0xe8: {  	v4 =	vmul.f32 v8, v4;
	v8 =	vld [tilespmem:s29+$0x60]  }
0xe9: {  	v10 =	vld [tilespmem:s3+$0xFFFFFF60]  }
0xea: {  	v12 =	vld [tilespmem:s28+$0xFFFFFF70];
	v3 =	vadd.f32 v4, v3;
	v4 =	vmul.f32 v7, v11  }
0xeb: {  	v7 =	vld [tilespmem:s29+$0xFFFFFF70];
	v5 =	vmul.f32 v9, v5  }
0xec: {  	v9 =	vld [tilespmem:s3+$0xFFFFFFE0]  }
0xed: {  	v11 =	vld [tilespmem:s28+$0xFFFFFFF0];
	v18 =	vadd.f32 v5, v2;
	v2 =	vmul.f32 v8, v6  }
0xee: {  	v1 =	vmul.f32 v10, v1;
	v5 =	vld [tilespmem:s29+$0xFFFFFFF0]  }
0xef: {  	v6 =	vld [tilespmem:s3+$0x60]  }
.Ltmp0:
0xf0: {  	v17 =	vadd.f32 v1, v0;
	v22 =	vmul.f32 v7, v12;
	v19 =	vld [tilespmem:s28+$0x70];
	(pc) =	sbr.rel @p1 .LBB2_4-.Ltmp0, $4  }
0xf1: {  	v0 =	vmul.f32 v9, v4;
	v21 =	vld [tilespmem:s29+$0x70]  }
0xf2: {  	v23 =	vld [tilespmem:s3+$0xFFFFFF70]  }
0xf3: {  	v20 =	vadd.f32 v0, v3;
	v24 =	vld [tilespmem:s3+$0xFFFFFFF0];
	v26 =	vmul.f32 v5, v11  }
0xf4: {  	v27 =	vmul.f32 v6, v2;
	v25 =	vld [tilespmem:s3+$0x70];
	s3 =	sadd.s32 $0x200, s3  }
0xf5: {  	_ =	sdelay $0x1  }
0xf6: {  	v0 =	vmul.f32 v21, v19;
	v1 =	vmul.f32 v23, v22  }
0xf7: {  	v2 =	vmul.f32 v24, v26  }
0xf8: {  	v3 =	vadd.f32 v27, v18;
	v1 =	vadd.f32 v1, v17;
	v0 =	vmul.f32 v25, v0  }
0xf9: {  	v2 =	vadd.f32 v2, v20  }
0xfa: {  	[tilespmem:s31+$0xFFFFFFE0] =	vst v1;
	v0 =	vadd.f32 v0, v3  }
0xfb: {  	[tilespmem:s31+$0xFFFFFFF0] =	vst v2  }
0xfc: {  	[tilespmem:s31+$0x0] =	vst v0  }
0xfd: {  	v1 =	vld [tilespmem:$0x1FF30];
	_ =	sdelay $0x1  }
0xfe: {  	v2 =	vld [tilespmem:$0x1FF40];
	_ =	sdelay $0x1  }
0xff: {  	v51 =	vld [tilespmem:$0x1FF50]  }
0x100: {  	v0 =	vld.idx.msk [tilespmem:v13+s20+$0x0], $0xffff  }
0x101: {  	v52 =	vld [tilespmem:$0x1FF60]  }
0x102: {  	v53 =	vld [tilespmem:$0x1FF70]  }
0x103: {  	v1 =	vld.idx.msk [tilespmem:v1+s20+$0x0], $0xffff  }
0x104: {  	v54 =	vld [tilespmem:$0x1FF80]  }
0x105: {  	v2 =	vld.idx.msk [tilespmem:v2+s20+$0x0], $0xffff  }
0x106: {  	v55 =	vld [tilespmem:$0x1FF90];
	v0 =	vadd.f32 $0.0e+00, v0  }
0x107: {  	v3 =	vld.idx.msk [tilespmem:v51+s20+$0x0], $0xffff  }
0x108: {  	v56 =	vld [tilespmem:$0x1FFA0];
	v0 =	vadd.f32 v1, v0  }
0x109: {  	v1 =	vld.idx.msk [tilespmem:v52+s20+$0x0], $0xffff  }
0x10a: {  	v57 =	vld [tilespmem:$0x1FFB0];
	v0 =	vadd.f32 v2, v0  }
0x10b: {  	v2 =	vld.idx.msk [tilespmem:v53+s20+$0x0], $0xffff  }
0x10c: {  	v58 =	vld [tilespmem:$0x1FFC0];
	v0 =	vadd.f32 v3, v0  }
0x10d: {  	v3 =	vld.idx.msk [tilespmem:v54+s20+$0x0], $0xffff  }
0x10e: {  	v59 =	vld [tilespmem:$0x1FFD0];
	v0 =	vadd.f32 v1, v0  }
0x10f: {  	v1 =	vld.idx.msk [tilespmem:v55+s20+$0x0], $0xffff  }
0x110: {  	v60 =	vld [tilespmem:$0x1FFE0];
	v0 =	vadd.f32 v2, v0  }
0x111: {  	v2 =	vld.idx.msk [tilespmem:v56+s20+$0x0], $0xffff  }
0x112: {  	v61 =	vld [tilespmem:$0x1FFF0];
	v0 =	vadd.f32 v3, v0  }
0x113: {  	v3 =	vld.idx.msk [tilespmem:v57+s20+$0x0], $0xffff  }
0x114: {  	v0 =	vadd.f32 v1, v0  }
0x115: {  	v1 =	vld.idx.msk [tilespmem:v58+s20+$0x0], $0xffff  }
0x116: {  	v0 =	vadd.f32 v2, v0  }
0x117: {  	v2 =	vld.idx.msk [tilespmem:v59+s20+$0x0], $0xffff  }
0x118: {  	v0 =	vadd.f32 v3, v0  }
0x119: {  	v3 =	vld.idx.msk [tilespmem:v60+s20+$0x0], $0xffff  }
0x11a: {  	v0 =	vadd.f32 v1, v0  }
0x11b: {  	v1 =	vld.idx.msk [tilespmem:v61+s20+$0x0], $0xffff  }
0x11c: {  	v0 =	vadd.f32 v2, v0  }
0x11d: {  	v62 =	vld.idx.msk [tilespmem:v14+s20+$0x0], $0xffff  }
0x11e: {  	v0 =	vadd.f32 v3, v0  }
0x11f: {  	v63 =	vld.idx.msk [tilespmem:v15+s20+$0x0], $0xffff  }
0x120: {  	s0 =	sshll.u32 s26, $0x4;
	s26 =	sadd.s32 $0x1, s26;
	v0 =	vadd.f32 v1, v0  }
0x121: {  	p1 =	sne.s32 s26, $0x8  }
.Ltmp1:
0x122: {  	v0 =	vadd.f32 v62, v0;
	(pc) =	sbr.rel @p1 .LBB2_3-.Ltmp1, $4  }
0x123: {  	_ = 	snop  }
0x124: {  	v0 =	vadd.f32 v63, v0  }
0x125: {  	s0 =	sand.u32 $0x3FFFFFF0, s0  }
0x126: {  	s13 =	sadd.s32 $0x800, s13;
	s14 =	sadd.s32 $0x800, s14;
	s30 =	sadd.s32 $0x800, s30;
	[tilespmem:v16+s0+$0x0 ss:$0x1] =	vst.idx.msk $0xffff, v0  }
0x127: {  	s0 =	simm.s32 @p0 $0x80;
	s3 =	simm.s32 @p0 $0x100;
	s13 =	simm.s32 @p0 $0x600  }
0x128: {  	[tilespmem:s13], [sflag:$0x1] =	stream.indirect.gather @p0 [hbm4b:s1+s0], $0x80, s3, s0, $0xb8;
	[tilespmem:$0x18900] =	vst v63  }
0x129: {  	s3 =	simm.s32 @p0 $0x300;
	s13 =	simm.s32 @p0 $0x4600  }
0x12a: {  	[tilespmem:s13], [sflag:$0x1] =	stream.indirect.gather @p0 [hbm4b:s2+s0], $0x80, s3, s0, $0xb8;
	[tilespmem:$0x18900] =	vst v63  }
0x12b: {  	s3 =	simm.s32 @p0 $0x500;
	s13 =	simm.s32 @p0 $0x8600  }
0x12c: {  	[tilespmem:s13], [sflag:$0x1] =	stream.indirect.gather @p0 [hbm4b:s1+s0], $0x80, s3, s0, $0xb8;
	[tilespmem:$0x18900] =	vst v63  }
0x12d: {  	_ =	swait.ge [sflag:s21], $0x4000  }
0x12e: {  	[sflag:s21] =	ssyncset.done $0x0  }
0x12f: {  	[sflag:s21] =	ssyncadd.s32 $0xFFFFC000  }
0x130: {  	_ =	swait.ge [sflag:s21], $0x4000  }
0x131: {  	[sflag:s21] =	ssyncset.done $0x0  }
0x132: {  	[sflag:s21] =	ssyncadd.s32 $0xFFFFC000  }
0x133: {  	s31 =	sadd.s32 $0x18780, s25;
	_ =	swait.ge [sflag:s21], $0x4000  }
0x134: {  	s25 =	simm.s32 $0x0;
	s26 =	simm.s32 $0xC700;
	[sflag:s21] =	ssyncset.done $0x0  }
0x135: {  	s28 =	simm.s32 $0x10700;
	s29 =	simm.s32 $0x14700;
	v16 =	vmov s31;
	[sflag:s21] =	ssyncadd.s32 $0xFFFFC000  }
.LBB2_7:
0x136: {  	v0 =	vld [tilespmem:s29+$0xE0]  }
0x137: {  	v1 =	vld [tilespmem:s29+$0xD0]  }
0x138: {  	v2 =	vld [tilespmem:s29+$0xC0]  }
0x139: {  	v3 =	vld [tilespmem:s29+$0xB0]  }
0x13a: {  	v4 =	vld [tilespmem:s29+$0xA0]  }
0x13b: {  	v5 =	vld [tilespmem:s29+$0x90]  }
0x13c: {  	v6 =	vld [tilespmem:s29+$0x80]  }
0x13d: {  	v7 =	vld [tilespmem:s26+$0x80]  }
0x13e: {  	v8 =	vld [tilespmem:s28+$0x80]  }
0x13f: {  	v9 =	vld [tilespmem:s26+$0x90]  }
0x140: {  	v10 =	vld [tilespmem:s28+$0x90]  }
0x141: {  	v11 =	vld [tilespmem:s26+$0xA0]  }
0x142: {  	v12 =	vld [tilespmem:s28+$0xA0]  }
0x143: {  	v17 =	vld [tilespmem:s26+$0xB0]  }
0x144: {  	v18 =	vld [tilespmem:s28+$0xB0]  }
0x145: {  	v19 =	vld [tilespmem:s26+$0xC0]  }
0x146: {  	v20 =	vld [tilespmem:s28+$0xC0]  }
0x147: {  	v21 =	vld [tilespmem:s26+$0xD0]  }
0x148: {  	v22 =	vld [tilespmem:s28+$0xD0]  }
0x149: {  	v23 =	vld [tilespmem:s26+$0xE0]  }
0x14a: {  	v24 =	vld [tilespmem:s28+$0xE0]  }
0x14b: {  	v25 =	vld [tilespmem:s26+$0xF0]  }
0x14c: {  	v26 =	vld [tilespmem:s28+$0xF0]  }
0x14d: {  	v27 =	vld [tilespmem:s28+$0xFFFFFF00]  }
0x14e: {  	v28 =	vld [tilespmem:s29+$0xF0]  }
0x14f: {  	v29 =	vld [tilespmem:s26+$0xFFFFFF80]  }
0x150: {  	v30 =	vld [tilespmem:s28+$0xFFFFFF80]  }
0x151: {  	v31 =	vld [tilespmem:s26+$0x0]  }
0x152: {  	v32 =	vld [tilespmem:s28+$0x0]  }
0x153: {  	v33 =	vld [tilespmem:s26+$0xFFFFFF00]  }
0x154: {  	v34 =	vld [tilespmem:s29+$0xFFFFFF00]  }
0x155: {  	v35 =	vld [tilespmem:s26+$0xFFFFFF10]  }
0x156: {  	v36 =	vld [tilespmem:s28+$0xFFFFFF10]  }
0x157: {  	v37 =	vld [tilespmem:s29+$0xFFFFFF80]  }
0x158: {  	v38 =	vld [tilespmem:s26+$0xFFFFFF90]  }
0x159: {  	v39 =	vld [tilespmem:s28+$0xFFFFFF90]  }
0x15a: {  	v40 =	vld [tilespmem:s29+$0x0]  }
0x15b: {  	v41 =	vld [tilespmem:s26+$0x10]  }
0x15c: {  	v42 =	vld [tilespmem:s28+$0x10]  }
0x15d: {  	v43 =	vld [tilespmem:s29+$0xFFFFFF10]  }
0x15e: {  	v44 =	vld [tilespmem:s26+$0xFFFFFF20]  }
0x15f: {  	v45 =	vld [tilespmem:s28+$0xFFFFFF20]  }
0x160: {  	v46 =	vld [tilespmem:s29+$0xFFFFFF90]  }
0x161: {  	v47 =	vld [tilespmem:s26+$0xFFFFFFA0]  }
0x162: {  	v48 =	vld [tilespmem:s28+$0xFFFFFFA0]  }
0x163: {  	v49 =	vld [tilespmem:s29+$0x10]  }
0x164: {  	v50 =	vld [tilespmem:s26+$0x20]  }
0x165: {  	v51 =	vld [tilespmem:s28+$0x20]  }
0x166: {  	v52 =	vld [tilespmem:s29+$0xFFFFFF20]  }
0x167: {  	v53 =	vld [tilespmem:s26+$0xFFFFFF30]  }
0x168: {  	v54 =	vld [tilespmem:s28+$0xFFFFFF30]  }
0x169: {  	v55 =	vld [tilespmem:s29+$0xFFFFFFA0]  }
0x16a: {  	v56 =	vld [tilespmem:s26+$0xFFFFFFB0]  }
0x16b: {  	v57 =	vld [tilespmem:s28+$0xFFFFFFB0]  }
0x16c: {  	v58 =	vld [tilespmem:s29+$0x20]  }
0x16d: {  	v59 =	vld [tilespmem:s26+$0x30]  }
0x16e: {  	v60 =	vld [tilespmem:s28+$0x30]  }
0x16f: {  	v61 =	vld [tilespmem:s29+$0xFFFFFF30]  }
0x170: {  	v62 =	vld [tilespmem:s26+$0xFFFFFF40]  }
0x171: {  	v63 =	vld [tilespmem:s29+$0xFFFFFFB0];
	v7 =	vmul.f32 v8, v7  }
0x172: {  	v8 =	vld [tilespmem:s28+$0xFFFFFF40]  }
0x173: {  	v6 =	vmul.f32 v6, v7;
	v7 =	vmul.f32 v10, v9;
	v9 =	vld [tilespmem:s26+$0xFFFFFFC0]  }
0x174: {  	v10 =	vld [tilespmem:s28+$0xFFFFFFC0]  }
0x175: {  	v5 =	vmul.f32 v5, v7;
	v7 =	vmul.f32 v12, v11;
	v11 =	vld [tilespmem:s29+$0x30]  }
0x176: {  	v6 =	vadd.f32 $0.0e+00, v6;
	v12 =	vld [tilespmem:s26+$0x40]  }
0x177: {  	v4 =	vmul.f32 v4, v7;
	v7 =	vld [tilespmem:s28+$0x40]  }
0x178: {  	v5 =	vadd.f32 v5, v6;
	v6 =	vmul.f32 v18, v17;
	v17 =	vld [tilespmem:s29+$0xFFFFFF40]  }
0x179: {  	v8 =	vmul.f32 v8, v62;
	v18 =	vld [tilespmem:s28+$0xFFFFFF50];
	v9 =	vmul.f32 v10, v9  }
0x17a: {  	v4 =	vadd.f32 v4, v5;
	v3 =	vmul.f32 v3, v6;
	v5 =	vmul.f32 v20, v19;
	v6 =	vld [tilespmem:s26+$0xFFFFFF50]  }
0x17b: {  	v19 =	vmul.f32 v24, v23;
	v20 =	vld [tilespmem:s26+$0xFFFFFFD0];
	v23 =	vmul.f32 v36, v35  }
0x17c: {  	v24 =	vld [tilespmem:s28+$0x50];
	v36 =	vmul.f32 v32, v31;
	v2 =	vmul.f32 v2, v5  }
0x17d: {  	v3 =	vadd.f32 v3, v4;
	v4 =	vmul.f32 v22, v21;
	v5 =	vld [tilespmem:s29+$0xFFFFFFC0];
	v0 =	vmul.f32 v0, v19  }
0x17e: {  	v19 =	vld [tilespmem:s29+$0x40];
	v21 =	vmul.f32 v30, v29;
	v23 =	vmul.f32 v43, v23  }
0x17f: {  	v22 =	vld [tilespmem:s26+$0x50];
	v43 =	vmul.f32 v39, v38;
	v7 =	vmul.f32 v7, v12  }
0x180: {  	v29 =	vld [tilespmem:s29+$0xFFFFFFD0];
	v8 =	vmul.f32 v17, v8;
	v1 =	vmul.f32 v1, v4  }
0x181: {  	v12 =	vld [tilespmem:s28+$0xFFFFFF70];
	v4 =	vmul.f32 v27, v33;
	v33 =	vmul.f32 v26, v25  }
0x182: {  	v17 =	vld [tilespmem:s29+$0xFFFFFFE0];
	v2 =	vadd.f32 v2, v3;
	v21 =	vmul.f32 v37, v21;
	v6 =	vmul.f32 v18, v6  }
0x183: {  	v3 =	vld [tilespmem:s28+$0xFFFFFFD0];
	v4 =	vmul.f32 v34, v4;
	v35 =	vmul.f32 v28, v33  }
0x184: {  	v25 =	vld [tilespmem:s29+$0xFFFFFF50];
	v1 =	vadd.f32 v1, v2;
	v2 =	vmul.f32 v40, v36;
	v28 =	vmul.f32 v42, v41  }
0x185: {  	v26 =	vld [tilespmem:s26+$0xFFFFFF60];
	v21 =	vadd.f32 $0.0e+00, v21;
	v5 =	vmul.f32 v5, v9;
	v4 =	vadd.f32 $0.0e+00, v4  }
0x186: {  	v27 =	vld [tilespmem:s28+$0xFFFFFF60];
	v7 =	vmul.f32 v19, v7;
	v0 =	vadd.f32 v0, v1;
	v1 =	vmul.f32 v46, v43  }
0x187: {  	v46 =	vmul.f32 v48, v47;
	v47 =	vld [tilespmem:s26+$0xFFFFFFE0];
	v4 =	vadd.f32 v23, v4;
	v23 =	vmul.f32 v45, v44  }
0x188: {  	v28 =	vmul.f32 v49, v28;
	v2 =	vadd.f32 $0.0e+00, v2;
	v48 =	vmul.f32 v51, v50;
	v49 =	vld [tilespmem:s28+$0xFFFFFFE0]  }
0x189: {  	v50 =	vld [tilespmem:s29+$0x50];
	v51 =	vmul.f32 v57, v56;
	v1 =	vadd.f32 v1, v21;
	v21 =	vmul.f32 v52, v23  }
0x18a: {  	v56 =	vld [tilespmem:s26+$0xFFFFFFF0];
	v57 =	vmul.f32 v24, v22;
	v2 =	vadd.f32 v28, v2;
	v28 =	vmul.f32 v55, v46  }
0x18b: {  	v23 =	vmul.f32 v54, v53;
	v52 =	vld [tilespmem:s26+$0x60];
	v4 =	vadd.f32 v21, v4;
	v21 =	vmul.f32 v58, v48  }
0x18c: {  	v3 =	vmul.f32 v3, v20;
	v53 =	vmul.f32 v60, v59;
	v54 =	vld [tilespmem:s28+$0x60];
	v1 =	vadd.f32 v28, v1  }
0x18d: {  	v28 =	vld [tilespmem:s29+$0xFFFFFF60];
	v23 =	vmul.f32 v61, v23;
	v2 =	vadd.f32 v21, v2;
	v21 =	vmul.f32 v63, v51  }
0x18e: {  	v0 =	vadd.f32 v35, v0;
	v55 =	vld [tilespmem:s26+$0xFFFFFF70];
	v3 =	vmul.f32 v29, v3;
	v11 =	vmul.f32 v11, v53  }
0x18f: {  	v59 =	vmul.f32 v25, v6;
	v58 =	vld [tilespmem:s28+$0xFFFFFFF0];
	v4 =	vadd.f32 v23, v4;
	v1 =	vadd.f32 v21, v1  }
0x190: {  	v60 =	vmul.f32 v27, v26;
	v25 =	vld [tilespmem:s29+$0x60];
	v62 =	vmul.f32 v50, v57;
	v2 =	vadd.f32 v11, v2  }
0x191: {  	v19 =	vld [tilespmem:s26+$0x70];
	v61 =	vmul.f32 v49, v47;
	v4 =	vadd.f32 v8, v4;
	v1 =	vadd.f32 v5, v1  }
0x192: {  	v6 =	vmul.f32 v28, v60;
	v63 =	vmul.f32 v54, v52;
	v21 =	vld [tilespmem:s28+$0x70];
	v2 =	vadd.f32 v7, v2  }
0x193: {  	v23 =	vld [tilespmem:s29+$0xFFFFFF70];
	v4 =	vadd.f32 v59, v4;
	v7 =	vmul.f32 v17, v61;
	v1 =	vadd.f32 v3, v1  }
0x194: {  	s30 =	simm.s32 $0x18620;
	s0 =	simm.s32 $0x0;
	v24 =	vld [tilespmem:s29+$0xFFFFFFF0];
	v22 =	vmul.f32 v12, v55;
	v26 =	vmul.f32 v58, v56;
	v18 =	vadd.f32 v62, v2  }
0x195: {  	s3 =	sadd.s32 $0x200, s29;
	s13 =	smov.u32 s26;
	s14 =	smov.u32 s28;
	[tilespmem:s30+$0x10] =	vst v0;
	v27 =	vmul.f32 v25, v63;
	v25 =	vld [tilespmem:s29+$0x70];
	v17 =	vadd.f32 v6, v4;
	v20 =	vadd.f32 v7, v1  }
.LBB2_8:
0x196: {  	v0 =	vld [tilespmem:s3+$0xE0]  }
0x197: {  	v1 =	vld [tilespmem:s3+$0xD0];
	v2 =	vadd.f32 v27, v18;
	v3 =	vmul.f32 v21, v19  }
0x198: {  	v4 =	vld [tilespmem:s3+$0xC0];
	v5 =	vmul.f32 v23, v22  }
0x199: {  	v6 =	vld [tilespmem:s3+$0xB0];
	v7 =	vmul.f32 v24, v26  }
0x19a: {  	v8 =	vld [tilespmem:s3+$0xA0];
	v5 =	vadd.f32 v5, v17;
	v3 =	vmul.f32 v25, v3  }
0x19b: {  	v9 =	vld [tilespmem:s3+$0x90];
	v7 =	vadd.f32 v7, v20  }
0x19c: {  	s13 =	sadd.s32 $0x200, s13;
	v10 =	vld [tilespmem:s3+$0x80];
	[tilespmem:s30+$0xFFFFFFE0] =	vst v5;
	v2 =	vadd.f32 v3, v2  }
0x19d: {  	s14 =	sadd.s32 $0x200, s14;
	v3 =	vld [tilespmem:s13+$0x80];
	[tilespmem:s30+$0xFFFFFFF0] =	vst v7  }
0x19e: {  	s0 =	sadd.s32 $0x4, s0;
	v5 =	vld [tilespmem:s14+$0x80];
	[tilespmem:s30+$0x0] =	vst v2  }
0x19f: {  	p1 =	slt.u32 s0, $0xC;
	v2 =	vld [tilespmem:s13+$0x90]  }
0x1a0: {  	v7 =	vld [tilespmem:s14+$0x90]  }
0x1a1: {  	v11 =	vld [tilespmem:s13+$0xA0]  }
0x1a2: {  	v12 =	vld [tilespmem:s14+$0xA0]  }
0x1a3: {  	v3 =	vmul.f32 v5, v3;
	v5 =	vld [tilespmem:s13+$0xB0]  }
0x1a4: {  	v17 =	vld [tilespmem:s14+$0xB0]  }
0x1a5: {  	v3 =	vmul.f32 v10, v3;
	v2 =	vmul.f32 v7, v2;
	v7 =	vld [tilespmem:s13+$0xC0]  }
0x1a6: {  	v10 =	vld [tilespmem:s14+$0xC0]  }
0x1a7: {  	v3 =	vadd.f32 $0.0e+00, v3;
	v2 =	vmul.f32 v9, v2;
	v9 =	vmul.f32 v12, v11;
	v11 =	vld [tilespmem:s13+$0xD0]  }
0x1a8: {  	v12 =	vld [tilespmem:s14+$0xD0]  }
0x1a9: {  	v2 =	vadd.f32 v2, v3;
	v3 =	vmul.f32 v8, v9;
	v5 =	vmul.f32 v17, v5;
	v8 =	vld [tilespmem:s13+$0xE0]  }
0x1aa: {  	v9 =	vld [tilespmem:s14+$0xE0]  }
0x1ab: {  	v2 =	vadd.f32 v3, v2;
	v3 =	vmul.f32 v6, v5;
	v5 =	vmul.f32 v10, v7;
	v6 =	vld [tilespmem:s13+$0xF0]  }
0x1ac: {  	v7 =	vld [tilespmem:s14+$0xF0]  }
0x1ad: {  	v10 =	vld [tilespmem:s14+$0xFFFFFF00];
	v2 =	vadd.f32 v3, v2;
	v3 =	vmul.f32 v4, v5;
	v4 =	vmul.f32 v12, v11  }
0x1ae: {  	v5 =	vld [tilespmem:s3+$0xF0]  }
0x1af: {  	v11 =	vld [tilespmem:s13+$0xFFFFFF80];
	v2 =	vadd.f32 v3, v2;
	v1 =	vmul.f32 v1, v4;
	v3 =	vmul.f32 v9, v8  }
0x1b0: {  	v4 =	vld [tilespmem:s14+$0xFFFFFF80]  }
0x1b1: {  	v8 =	vld [tilespmem:s13+$0x0];
	v1 =	vadd.f32 v1, v2;
	v0 =	vmul.f32 v0, v3;
	v2 =	vmul.f32 v7, v6  }
0x1b2: {  	v3 =	vld [tilespmem:s14+$0x0]  }
0x1b3: {  	v6 =	vld [tilespmem:s13+$0xFFFFFF00];
	v0 =	vadd.f32 v0, v1;
	v1 =	vmul.f32 v5, v2  }
0x1b4: {  	v2 =	vld [tilespmem:s3+$0xFFFFFF00]  }
0x1b5: {  	v5 =	vld [tilespmem:s13+$0xFFFFFF10];
	v4 =	vmul.f32 v4, v11;
	v0 =	vadd.f32 v1, v0  }
0x1b6: {  	s30 =	sadd.s32 $0x40, s30;
	v1 =	vld [tilespmem:s14+$0xFFFFFF10]  }
0x1b7: {  	v7 =	vld [tilespmem:s3+$0xFFFFFF80];
	v3 =	vmul.f32 v3, v8;
	[tilespmem:s30+$0x10] =	vst v0  }
0x1b8: {  	v0 =	vmul.f32 v10, v6;
	v6 =	vld [tilespmem:s13+$0xFFFFFF90]  }
0x1b9: {  	v8 =	vld [tilespmem:s14+$0xFFFFFF90]  }
0x1ba: {  	v0 =	vmul.f32 v2, v0;
	v2 =	vld [tilespmem:s3+$0x0]  }
0x1bb: {  	v1 =	vmul.f32 v1, v5;
	v5 =	vld [tilespmem:s13+$0x10]  }
0x1bc: {  	v0 =	vadd.f32 $0.0e+00, v0;
	v4 =	vmul.f32 v7, v4;
	v7 =	vld [tilespmem:s14+$0x10]  }
0x1bd: {  	v9 =	vld [tilespmem:s3+$0xFFFFFF10]  }
0x1be: {  	v10 =	vld [tilespmem:s13+$0xFFFFFF20];
	v4 =	vadd.f32 $0.0e+00, v4;
	v6 =	vmul.f32 v8, v6  }
0x1bf: {  	v8 =	vld [tilespmem:s14+$0xFFFFFF20];
	v2 =	vmul.f32 v2, v3  }
0x1c0: {  	v3 =	vld [tilespmem:s3+$0xFFFFFF90]  }
0x1c1: {  	v11 =	vld [tilespmem:s13+$0xFFFFFFA0];
	v2 =	vadd.f32 $0.0e+00, v2;
	v5 =	vmul.f32 v7, v5  }
0x1c2: {  	v1 =	vmul.f32 v9, v1;
	v7 =	vld [tilespmem:s14+$0xFFFFFFA0]  }
0x1c3: {  	v9 =	vld [tilespmem:s3+$0x10]  }
0x1c4: {  	v0 =	vadd.f32 v1, v0;
	v1 =	vmul.f32 v8, v10;
	v8 =	vld [tilespmem:s13+$0x20]  }
0x1c5: {  	v3 =	vmul.f32 v3, v6;
	v6 =	vld [tilespmem:s14+$0x20]  }
0x1c6: {  	v10 =	vld [tilespmem:s3+$0xFFFFFF20]  }
0x1c7: {  	v12 =	vld [tilespmem:s13+$0xFFFFFF30];
	v3 =	vadd.f32 v3, v4;
	v4 =	vmul.f32 v7, v11  }
0x1c8: {  	v7 =	vld [tilespmem:s14+$0xFFFFFF30];
	v5 =	vmul.f32 v9, v5  }
0x1c9: {  	v9 =	vld [tilespmem:s3+$0xFFFFFFA0]  }
0x1ca: {  	v11 =	vld [tilespmem:s13+$0xFFFFFFB0];
	v2 =	vadd.f32 v5, v2;
	v5 =	vmul.f32 v6, v8  }
0x1cb: {  	v1 =	vmul.f32 v10, v1;
	v6 =	vld [tilespmem:s14+$0xFFFFFFB0]  }
0x1cc: {  	v8 =	vld [tilespmem:s3+$0x20]  }
0x1cd: {  	v0 =	vadd.f32 v1, v0;
	v1 =	vmul.f32 v7, v12;
	v7 =	vld [tilespmem:s13+$0x30]  }
0x1ce: {  	v4 =	vmul.f32 v9, v4;
	v9 =	vld [tilespmem:s14+$0x30]  }
0x1cf: {  	v10 =	vld [tilespmem:s3+$0xFFFFFF30]  }
0x1d0: {  	v12 =	vld [tilespmem:s13+$0xFFFFFF40];
	v3 =	vadd.f32 v4, v3;
	v4 =	vmul.f32 v6, v11  }
0x1d1: {  	v6 =	vld [tilespmem:s14+$0xFFFFFF40];
	v5 =	vmul.f32 v8, v5  }
0x1d2: {  	v8 =	vld [tilespmem:s3+$0xFFFFFFB0]  }
0x1d3: {  	v11 =	vld [tilespmem:s13+$0xFFFFFFC0];
	v2 =	vadd.f32 v5, v2;
	v5 =	vmul.f32 v9, v7  }
0x1d4: {  	v1 =	vmul.f32 v10, v1;
	v7 =	vld [tilespmem:s14+$0xFFFFFFC0]  }
0x1d5: {  	v9 =	vld [tilespmem:s3+$0x30]  }
0x1d6: {  	v0 =	vadd.f32 v1, v0;
	v1 =	vmul.f32 v6, v12;
	v6 =	vld [tilespmem:s13+$0x40]  }
0x1d7: {  	v4 =	vmul.f32 v8, v4;
	v8 =	vld [tilespmem:s14+$0x40]  }
0x1d8: {  	v10 =	vld [tilespmem:s3+$0xFFFFFF40]  }
0x1d9: {  	v12 =	vld [tilespmem:s13+$0xFFFFFF50];
	v3 =	vadd.f32 v4, v3;
	v4 =	vmul.f32 v7, v11  }
0x1da: {  	v7 =	vld [tilespmem:s14+$0xFFFFFF50];
	v5 =	vmul.f32 v9, v5  }
0x1db: {  	v9 =	vld [tilespmem:s3+$0xFFFFFFC0]  }
0x1dc: {  	v11 =	vld [tilespmem:s13+$0xFFFFFFD0];
	v2 =	vadd.f32 v5, v2;
	v5 =	vmul.f32 v8, v6  }
0x1dd: {  	v1 =	vmul.f32 v10, v1;
	v6 =	vld [tilespmem:s14+$0xFFFFFFD0]  }
0x1de: {  	v8 =	vld [tilespmem:s3+$0x40]  }
0x1df: {  	v0 =	vadd.f32 v1, v0;
	v1 =	vmul.f32 v7, v12;
	v7 =	vld [tilespmem:s13+$0x50]  }
0x1e0: {  	v4 =	vmul.f32 v9, v4;
	v9 =	vld [tilespmem:s14+$0x50]  }
0x1e1: {  	v10 =	vld [tilespmem:s3+$0xFFFFFF50]  }
0x1e2: {  	v12 =	vld [tilespmem:s13+$0xFFFFFF60];
	v3 =	vadd.f32 v4, v3;
	v4 =	vmul.f32 v6, v11  }
0x1e3: {  	v6 =	vld [tilespmem:s14+$0xFFFFFF60];
	v5 =	vmul.f32 v8, v5  }
0x1e4: {  	v8 =	vld [tilespmem:s3+$0xFFFFFFD0]  }
0x1e5: {  	v11 =	vld [tilespmem:s13+$0xFFFFFFE0];
	v2 =	vadd.f32 v5, v2;
	v5 =	vmul.f32 v9, v7  }
0x1e6: {  	v1 =	vmul.f32 v10, v1;
	v7 =	vld [tilespmem:s14+$0xFFFFFFE0]  }
0x1e7: {  	v9 =	vld [tilespmem:s3+$0x50]  }
0x1e8: {  	v0 =	vadd.f32 v1, v0;
	v1 =	vmul.f32 v6, v12;
	v6 =	vld [tilespmem:s13+$0x60]  }
0x1e9: {  	v4 =	vmul.f32 v8, v4;
	v8 =	vld [tilespmem:s14+$0x60]  }
0x1ea: {  	v10 =	vld [tilespmem:s3+$0xFFFFFF60]  }
0x1eb: {  	v12 =	vld [tilespmem:s13+$0xFFFFFF70];
	v3 =	vadd.f32 v4, v3;
	v4 =	vmul.f32 v7, v11  }
0x1ec: {  	v7 =	vld [tilespmem:s14+$0xFFFFFF70];
	v5 =	vmul.f32 v9, v5  }
0x1ed: {  	v9 =	vld [tilespmem:s3+$0xFFFFFFE0]  }
0x1ee: {  	v11 =	vld [tilespmem:s13+$0xFFFFFFF0];
	v18 =	vadd.f32 v5, v2;
	v2 =	vmul.f32 v8, v6  }
0x1ef: {  	v1 =	vmul.f32 v10, v1;
	v5 =	vld [tilespmem:s14+$0xFFFFFFF0]  }
0x1f0: {  	v6 =	vld [tilespmem:s3+$0x60]  }
.Ltmp2:
0x1f1: {  	v17 =	vadd.f32 v1, v0;
	v22 =	vmul.f32 v7, v12;
	v19 =	vld [tilespmem:s13+$0x70];
	(pc) =	sbr.rel @p1 .LBB2_8-.Ltmp2, $4  }
0x1f2: {  	v0 =	vmul.f32 v9, v4;
	v21 =	vld [tilespmem:s14+$0x70]  }
0x1f3: {  	v23 =	vld [tilespmem:s3+$0xFFFFFF70]  }
0x1f4: {  	v20 =	vadd.f32 v0, v3;
	v24 =	vld [tilespmem:s3+$0xFFFFFFF0];
	v26 =	vmul.f32 v5, v11  }
0x1f5: {  	v27 =	vmul.f32 v6, v2;
	v25 =	vld [tilespmem:s3+$0x70];
	s3 =	sadd.s32 $0x200, s3  }
0x1f6: {  	_ =	sdelay $0x1  }
0x1f7: {  	v0 =	vmul.f32 v21, v19;
	v1 =	vmul.f32 v23, v22  }
0x1f8: {  	v2 =	vmul.f32 v24, v26  }
0x1f9: {  	v3 =	vadd.f32 v27, v18;
	v1 =	vadd.f32 v1, v17;
	v0 =	vmul.f32 v25, v0  }
0x1fa: {  	v2 =	vadd.f32 v2, v20  }
0x1fb: {  	[tilespmem:s30+$0xFFFFFFE0] =	vst v1;
	v0 =	vadd.f32 v0, v3  }
0x1fc: {  	[tilespmem:s30+$0xFFFFFFF0] =	vst v2  }
0x1fd: {  	[tilespmem:s30+$0x0] =	vst v0  }
0x1fe: {  	v1 =	vld [tilespmem:$0x1FF30];
	_ =	sdelay $0x1  }
0x1ff: {  	v2 =	vld [tilespmem:$0x1FF40];
	_ =	sdelay $0x1  }
0x200: {  	v51 =	vld [tilespmem:$0x1FF50]  }
0x201: {  	v0 =	vld.idx.msk [tilespmem:v13+s20+$0x0], $0xffff  }
0x202: {  	v52 =	vld [tilespmem:$0x1FF60]  }
0x203: {  	v53 =	vld [tilespmem:$0x1FF70]  }
0x204: {  	v1 =	vld.idx.msk [tilespmem:v1+s20+$0x0], $0xffff  }
0x205: {  	v54 =	vld [tilespmem:$0x1FF80]  }
0x206: {  	v2 =	vld.idx.msk [tilespmem:v2+s20+$0x0], $0xffff  }
0x207: {  	v55 =	vld [tilespmem:$0x1FF90];
	v0 =	vadd.f32 $0.0e+00, v0  }
0x208: {  	v3 =	vld.idx.msk [tilespmem:v51+s20+$0x0], $0xffff  }
0x209: {  	v56 =	vld [tilespmem:$0x1FFA0];
	v0 =	vadd.f32 v1, v0  }
0x20a: {  	v1 =	vld.idx.msk [tilespmem:v52+s20+$0x0], $0xffff  }
0x20b: {  	v57 =	vld [tilespmem:$0x1FFB0];
	v0 =	vadd.f32 v2, v0  }
0x20c: {  	v2 =	vld.idx.msk [tilespmem:v53+s20+$0x0], $0xffff  }
0x20d: {  	v58 =	vld [tilespmem:$0x1FFC0];
	v0 =	vadd.f32 v3, v0  }
0x20e: {  	v3 =	vld.idx.msk [tilespmem:v54+s20+$0x0], $0xffff  }
0x20f: {  	v59 =	vld [tilespmem:$0x1FFD0];
	v0 =	vadd.f32 v1, v0  }
0x210: {  	v1 =	vld.idx.msk [tilespmem:v55+s20+$0x0], $0xffff  }
0x211: {  	v60 =	vld [tilespmem:$0x1FFE0];
	v0 =	vadd.f32 v2, v0  }
0x212: {  	v2 =	vld.idx.msk [tilespmem:v56+s20+$0x0], $0xffff  }
0x213: {  	v61 =	vld [tilespmem:$0x1FFF0];
	v0 =	vadd.f32 v3, v0  }
0x214: {  	v3 =	vld.idx.msk [tilespmem:v57+s20+$0x0], $0xffff  }
0x215: {  	v0 =	vadd.f32 v1, v0  }
0x216: {  	v1 =	vld.idx.msk [tilespmem:v58+s20+$0x0], $0xffff  }
0x217: {  	v0 =	vadd.f32 v2, v0  }
0x218: {  	v2 =	vld.idx.msk [tilespmem:v59+s20+$0x0], $0xffff  }
0x219: {  	v0 =	vadd.f32 v3, v0  }
0x21a: {  	v3 =	vld.idx.msk [tilespmem:v60+s20+$0x0], $0xffff  }
0x21b: {  	v0 =	vadd.f32 v1, v0  }
0x21c: {  	v1 =	vld.idx.msk [tilespmem:v61+s20+$0x0], $0xffff  }
0x21d: {  	v0 =	vadd.f32 v2, v0  }
0x21e: {  	v62 =	vld.idx.msk [tilespmem:v14+s20+$0x0], $0xffff  }
0x21f: {  	v0 =	vadd.f32 v3, v0  }
0x220: {  	v63 =	vld.idx.msk [tilespmem:v15+s20+$0x0], $0xffff  }
0x221: {  	s0 =	sshll.u32 s25, $0x4;
	s25 =	sadd.s32 $0x1, s25;
	v0 =	vadd.f32 v1, v0  }
0x222: {  	p1 =	sne.s32 s25, $0x8  }
.Ltmp3:
0x223: {  	v0 =	vadd.f32 v62, v0;
	(pc) =	sbr.rel @p1 .LBB2_7-.Ltmp3, $4  }
0x224: {  	_ = 	snop  }
0x225: {  	v0 =	vadd.f32 v63, v0  }
0x226: {  	s0 =	sand.u32 $0x3FFFFFF0, s0  }
0x227: {  	s26 =	sadd.s32 $0x800, s26;
	s28 =	sadd.s32 $0x800, s28;
	s29 =	sadd.s32 $0x800, s29;
	[tilespmem:v16+s0+$0x0 ss:$0x1] =	vst.idx.msk $0xffff, v0  }
.Ltmp4:
0x228: {  	(pc) =	sbr.rel @p0 .LBB2_2-.Ltmp4, $3  }
0x229: {  	_ =	sdelay $0x1  }
0x22a: {  	s0 =	simm.s32 $0x400;
	p1 =	por $0x0, $0x0  }
0x22b: {  	s3 =	simm.s32 $0x580;
	s13 =	simm.s32 $0x380;
	s14 =	simm.s32 $0x180  }
0x22c: {  	s24 =	sadd.s32 $0x1, s24  }
0x22d: {  	p0 =	sne.s32 s24, s9  }
.Ltmp5:
0x22e: {  	_ = 	snop;
	(pc) =	sbr.rel @p0 .LBB2_1-.Ltmp5, $4  }
0x22f: {  	[hbm4b:s8+s4] =	stream.linear.scatter [tilespmem:s22], [sflag:$0x3], $0x200, $0x38;
	[tilespmem:$0x18900] =	vst v63  }
0x230: {  	_ =	swait.ge [sflag:s23], $0x200  }
0x231: {  	[sflag:s23] =	ssyncset.done $0x0  }
0x232: {  	[sflag:s23] =	ssyncadd.s32 $0xFFFFFE00  }
0x233: {  	_ =	sfence.sel $0x180000  }
0x234: {  	[bflag:$0x0] =	sbarrier.arrive $0xFFFF  }
0x235: {  	_ =	strace $0x90000047  }
0x236: {  	s0 =	stileid.u32;
	[bflag:$0x2] =	sbarrier.arrive $0xFFFF  }
0x237: {  	p0 =	sne.s32 s0, $0x0;
	s0 =	rddreg [dreg:$0x6]  }
0x238: {  	s0 =	sadd.s32 @!p0 $0x100000, s0  }
0x239: {  	[sflag:s0] =	ssyncadd.tile.s32 @!p0 $0x1;
	_ =	shalt  }
.Lfunc_end2:
_tile_overlayer_lowered:
.L_overlay_start_2:
0x23a: {  	(tag) =	ssettag $0x2  }
0x23b: {  	s0 =	rddreg [dreg:$0x0];
	s2 =	stileid.u32  }
0x23c: {  	s1 =	rddreg [dreg:$0x1];
	p0 =	sne.s32 s2, $0x0  }
0x23d: {  	s3 =	rddreg [dreg:$0x2];
	[bflag:$0x3] =	sbarrier.arrive $0xFFFF;
	s2 =	simm.s32 @!p0 $0x1C03  }
0x23e: {  	[timem:s3], [sflag:s2] =	dma.local @!p0 [hbm:s0], s1  }
0x23f: {  	s0 =	simm.s32 @!p0 $0x3  }
0x240: {  	_ =	swait.ge @!p0 [sflag:s0], s1  }
0x241: {  	s1 =	ssub.s32 @!p0 $0x0, s1;
	[sflag:s0] =	ssyncset.done @!p0 $0x0  }
0x242: {  	[sflag:s0] =	ssyncadd.s32 @!p0 s1  }
0x243: {  	[bflag:$0x3] =	sbarrier.arrive $0xFFFF  }
0x244: {  	_ =	shalt  }

</sc_bundles>
